<compile_context>
chip_gen: v7x
topology: tpu7x:2x2x1
jax: 0.10.2.dev20260603
libtpu: 0.0.44.dev20260713+nightly
codegen_flags: <defaults>
</compile_context>

<pallas_src>
import jax
import jax.numpy as jnp
from jax import lax
from jax.experimental import pallas as pl
from jax.experimental.pallas import tpu as pltpu
from jax.experimental.pallas import tpu_sc as plsc

B = 4
N = 16384
G = 512
M = 32
NR = 128
NC = 128

_BIG = 1 << 30


def _fps_body(xs_ref, xt_ref, cs_ref):
    fiota = (lax.broadcasted_iota(jnp.int32, (NR, NC), 0) * NC
             + lax.broadcasted_iota(jnp.int32, (NR, NC), 1))
    dists0 = jnp.full((NR, NC), jnp.inf, dtype=jnp.float32)

    init = []
    for b in range(B):
        o = b * 3 * N
        init += [xs_ref[o], xs_ref[o + N], xs_ref[o + 2 * N], dists0]

    def step(g, carry):
        out = []
        for b in range(B):
            px, py, pz, dists = carry[4 * b:4 * b + 4]
            cs_ref[b, 0, g] = px
            cs_ref[b, 1, g] = py
            cs_ref[b, 2, g] = pz
            dx = xt_ref[b, 0] - px
            dy = xt_ref[b, 1] - py
            dz = xt_ref[b, 2] - pz
            d = dx * dx + dy * dy + dz * dz
            dists = jnp.minimum(dists, d)
            m = jnp.max(dists)
            sel = jnp.where(dists == m, fiota, _BIG)
            i = jnp.min(sel)
            o = b * 3 * N
            out += [xs_ref[o + i], xs_ref[o + N + i], xs_ref[o + 2 * N + i],
                    dists]
        return tuple(out)

    lax.fori_loop(0, G, step, tuple(init))


def _fps_call(xflat, xt, interpret=False):
    return pl.pallas_call(
        _fps_body,
        grid=(1,),
        in_specs=[
            pl.BlockSpec((B * 3 * N,), lambda i: (0,),
                         memory_space=pltpu.SMEM),
            pl.BlockSpec((B, 3, NR, NC), lambda i: (0, 0, 0, 0)),
        ],
        out_specs=pl.BlockSpec((B, 3, G), lambda i: (0, 0, 0),
                               memory_space=pltpu.SMEM),
        out_shape=jax.ShapeDtypeStruct((B, 3, G), jnp.float32),
        interpret=interpret,
    )(xflat.reshape(B * 3 * N), xt)


CPB = 8


def _d2_body(centers_ref, xt_ref, d2_ref, t_ref, rm_ref):
    x = xt_ref[0, 0]
    y = xt_ref[0, 1]
    z = xt_ref[0, 2]
    ident = (lax.broadcasted_iota(jnp.int32, (NR, NR), 0)
             == lax.broadcasted_iota(jnp.int32, (NR, NR), 1)
             ).astype(jnp.float32)
    neg_inf = jnp.float32(-jnp.inf)
    for c in range(CPB):
        cx = centers_ref[0, c, 0]
        cy = centers_ref[0, c, 1]
        cz = centers_ref[0, c, 2]
        dx = cx - x
        dy = cy - y
        dz = cz - z
        d2 = dx * dx + dy * dy + dz * dz
        d2_ref[c] = d2
        rm = jnp.min(d2, axis=1, keepdims=True)
        rmt = lax.dot_general(rm, ident, (((0,), (0,)), ((), ())),
                              precision=lax.Precision.HIGHEST)
        rank = jnp.sum((rmt < rm).astype(jnp.int32), axis=1, keepdims=True)
        t = jnp.max(jnp.where(rank < M, rm, neg_inf))
        t_ref[0, 0, c] = t
        rm_ref[c] = rmt


def _d2_call(centers, xt, interpret=False):
    return pl.pallas_call(
        _d2_body,
        grid=(B, G // CPB),
        in_specs=[
            pl.BlockSpec((1, CPB, 3), lambda b, j: (b, j, 0),
                         memory_space=pltpu.SMEM),
            pl.BlockSpec((1, 3, NR, NC), lambda b, j: (b, 0, 0, 0)),
        ],
        out_specs=[
            pl.BlockSpec((CPB, NR, NC), lambda b, j: (b * (G // CPB) + j, 0, 0)),
            pl.BlockSpec((1, 1, CPB), lambda b, j: (b * (G // CPB) + j, 0, 0),
                         memory_space=pltpu.SMEM),
            pl.BlockSpec((CPB, 1, NR), lambda b, j: (b * (G // CPB) + j, 0, 0)),
        ],
        out_shape=[
            jax.ShapeDtypeStruct((B * G, NR, NC), jnp.float32),
            jax.ShapeDtypeStruct((B * G // CPB, 1, CPB), jnp.float32),
            jax.ShapeDtypeStruct((B * G, 1, NR), jnp.float32),
        ],
        compiler_params=pltpu.CompilerParams(
            dimension_semantics=("parallel", "parallel")),
        interpret=interpret,
    )(centers, xt)


NW = 32
WPB = NW // B
RPW = G // WPB
EPW = RPW * M
CAP = 1024


def _sel_body(xt_hbm, ct_hbm, t_hbm, d2_hbm, rm_hbm, out_hbm,
              xv, yv, zv, cxv, cyv, czv, tv, rmv, blist, dv,
              candv, candi, ov):
    w = lax.axis_index("s") * 2 + lax.axis_index("c")
    b = w // WPB
    r = w % WPB
    pltpu.sync_copy(xt_hbm.at[pl.ds(b * 3 * N, N)], xv)
    pltpu.sync_copy(xt_hbm.at[pl.ds((b * 3 + 1) * N, N)], yv)
    pltpu.sync_copy(xt_hbm.at[pl.ds((b * 3 + 2) * N, N)], zv)
    pltpu.sync_copy(ct_hbm.at[pl.ds(b * 3 * G, G)], cxv)
    pltpu.sync_copy(ct_hbm.at[pl.ds((b * 3 + 1) * G, G)], cyv)
    pltpu.sync_copy(ct_hbm.at[pl.ds((b * 3 + 2) * G, G)], czv)
    row0 = b * G + r * RPW
    pltpu.sync_copy(t_hbm.at[pl.ds(row0, RPW)], tv)

    lane = lax.iota(jnp.int32, 16)
    inf16 = jnp.full((16,), jnp.inf, dtype=jnp.float32)
    big16 = jnp.full((16,), _BIG, dtype=jnp.int32)

    def row_body(q, _):
        pltpu.sync_copy(rm_hbm.at[pl.ds((row0 + q) * NR, NR)], rmv)
        tsv = plsc.load_gather(tv, [jnp.full((16,), q, dtype=jnp.int32)])

        def fchunk(t, off):
            rv = rmv[pl.ds(t * 16, 16)]
            mask = rv <= tsv
            plsc.store_compressed(blist.at[pl.ds(off, 16)],
                                  t * 16 + lane, mask=mask)
            return off + jnp.sum(mask.astype(jnp.int32))

        nb = lax.fori_loop(0, NR // 16, fchunk, jnp.int32(0))

        rowbase = (row0 + q) * NR
        pltpu.sync_copy(d2_hbm.at[pl.ds(rowbase, NR)], dv)

        def rchunk(u, carry):
            off, tcnt = carry
            rvec = plsc.load_gather(
                blist, [jnp.full((16,), u, dtype=jnp.int32)])
            row = jnp.sum(jnp.where(lane == 0, rvec, 0))
            base = row * NC

            def ichunk(t, c2):
                off2, tc2 = c2
                v = dv[row, pl.ds(t * 16, 16)]
                mask = v <= tsv
                plsc.store_compressed(candv.at[pl.ds(off2, 16)], v,
                                      mask=mask)
                plsc.store_compressed(candi.at[pl.ds(off2, 16)],
                                      base + t * 16 + lane, mask=mask)
                cnt = jnp.sum(mask.astype(jnp.int32))
                return jnp.minimum(off2 + cnt, CAP - 16), tc2 + cnt

            return lax.fori_loop(0, NC // 16, ichunk, (off, tcnt))

        off, tcnt = lax.fori_loop(0, nb, rchunk,
                                  (jnp.int32(0), jnp.int32(0)))
        candv[pl.ds(off, 16)] = inf16
        candi[pl.ds(off, 16)] = big16
        nv = off // 16 + 1

        def run_select(load_pair, nvec):
            def select(k, carry):
                mprev, iprev, sel0, sel1 = carry

                def pass1(t, mv):
                    cv, ci = load_pair(t)
                    elig = (cv > mprev) | ((cv == mprev) & (ci > iprev))
                    return jnp.minimum(mv, jnp.where(elig, cv, inf16))

                m = jnp.min(lax.fori_loop(0, nvec, pass1, inf16))

                def pass2(t, iv):
                    cv, ci = load_pair(t)
                    elig = (cv == m) & ((cv > mprev) | (ci > iprev))
                    return jnp.minimum(iv, jnp.where(elig, ci, big16))

                i = jnp.min(lax.fori_loop(0, nvec, pass2, big16))
                sel0 = jnp.where(lane == k, i, sel0)
                sel1 = jnp.where(lane == (k - 16), i, sel1)
                return m, i, sel0, sel1

            zero16 = jnp.zeros((16,), dtype=jnp.int32)
            _, _, sel0, sel1 = lax.fori_loop(
                0, M, select, (jnp.float32(-jnp.inf), jnp.int32(-1),
                               zero16, zero16))
            return sel0, sel1

        def load_cand(t):
            return candv[pl.ds(t * 16, 16)], candi[pl.ds(t * 16, 16)]

        def load_full(t):
            return (dv[t >> 3, pl.ds((t & 7) * 16, 16)],
                    t * 16 + lane)

        sel0, sel1 = lax.cond(
            tcnt <= CAP - 16,
            lambda: run_select(load_cand, nv),
            lambda: run_select(load_full, jnp.int32(N // 16)))

        gl = jnp.full((16,), r * RPW + q, dtype=jnp.int32)
        hx = plsc.load_gather(cxv, [gl])
        hy = plsc.load_gather(cyv, [gl])
        hz = plsc.load_gather(czv, [gl])
        o = q * M
        ov[pl.ds(o, 16)] = plsc.load_gather(xv, [sel0]) - hx
        ov[pl.ds(o + 16, 16)] = plsc.load_gather(xv, [sel1]) - hx
        ov[pl.ds(EPW + o, 16)] = plsc.load_gather(yv, [sel0]) - hy
        ov[pl.ds(EPW + o + 16, 16)] = plsc.load_gather(yv, [sel1]) - hy
        ov[pl.ds(2 * EPW + o, 16)] = plsc.load_gather(zv, [sel0]) - hz
        ov[pl.ds(2 * EPW + o + 16, 16)] = plsc.load_gather(zv, [sel1]) - hz
        return _

    lax.fori_loop(0, RPW, row_body, 0)
    off_out = b * G * M + r * EPW
    pltpu.sync_copy(ov.at[pl.ds(0, EPW)],
                    out_hbm.at[pl.ds(0 * B * G * M + off_out, EPW)])
    pltpu.sync_copy(ov.at[pl.ds(EPW, EPW)],
                    out_hbm.at[pl.ds(1 * B * G * M + off_out, EPW)])
    pltpu.sync_copy(ov.at[pl.ds(2 * EPW, EPW)],
                    out_hbm.at[pl.ds(2 * B * G * M + off_out, EPW)])


def _sel_call(xt_flat, ct_flat, t_flat, d2_rows, rm_flat):
    mesh = plsc.VectorSubcoreMesh(core_axis_name="c", subcore_axis_name="s")
    kfn = pl.kernel(
        _sel_body,
        mesh=mesh,
        compiler_params=pltpu.CompilerParams(needs_layout_passes=False),
        out_type=jax.ShapeDtypeStruct((3 * B * G * M,), jnp.float32),
        scratch_types=[
            pltpu.VMEM((N,), jnp.float32),
            pltpu.VMEM((N,), jnp.float32),
            pltpu.VMEM((N,), jnp.float32),
            pltpu.VMEM((G,), jnp.float32),
            pltpu.VMEM((G,), jnp.float32),
            pltpu.VMEM((G,), jnp.float32),
            pltpu.VMEM((RPW,), jnp.float32),
            pltpu.VMEM((NR,), jnp.float32),
            pltpu.VMEM((NR + 16,), jnp.int32),
            pltpu.VMEM((NR, NC), jnp.float32),
            pltpu.VMEM((CAP,), jnp.float32),
            pltpu.VMEM((CAP,), jnp.int32),
            pltpu.VMEM((3 * EPW,), jnp.float32),
        ],
    )
    return kfn(xt_flat, ct_flat, t_flat, d2_rows, rm_flat)


@jax.jit
def kernel(xyz):
    xt = jnp.transpose(xyz, (0, 2, 1)).reshape(B, 3, NR, NC)
    cs = _fps_call(xt.reshape(B, 3, N), xt)
    centers = jnp.transpose(cs, (0, 2, 1))
    d2, tthr, rmt = _d2_call(centers, xt)
    out3 = _sel_call(
        xt.reshape(B * 3 * N),
        cs.reshape(B * 3 * G),
        tthr.reshape(B * G),
        d2.reshape(B * G * NR, NC),
        rmt.reshape(B * G * NR),
    )
    neighborhood = jnp.transpose(out3.reshape(3, B, G, M), (1, 2, 3, 0))
    return neighborhood, centers

# --- scband reference (transcript-rebuilt; emitter-appended) ---
"""Pipeline reference for scband-group-88321707475105 (READ-ONLY COPY).

The authoritative reference and input builder live on the scoring server;
editing this copy changes nothing except your own understanding.
"""

import jax, jax.numpy as jnp
import numpy as np

NUM_GROUP = 512
GROUP_SIZE = 32


def setup_inputs(seed: int = 0) -> dict:
    key = jax.random.key(seed)
    xyz = jax.random.normal(key, (4, 16384, 3), dtype=jnp.float32)
    return {"xyz": xyz}


def _fps(xyz, num_group):
    # Farthest point sampling, deterministic start at index 0 per batch.
    B, N, _ = xyz.shape
    dists0 = jnp.full((B, N), jnp.inf, dtype=xyz.dtype)
    last0 = jnp.zeros((B,), dtype=jnp.int32)

    def step(carry, _):
        dists, last = carry
        last_pt = xyz[jnp.arange(B), last]  # [B, 3]
        d = jnp.sum((xyz - last_pt[:, None, :]) ** 2, axis=-1)  # [B, N]
        dists = jnp.minimum(dists, d)
        nxt = jnp.argmax(dists, axis=-1).astype(jnp.int32)
        return (dists, nxt), last

    (_, _), idxs = jax.lax.scan(step, (dists0, last0), None, length=num_group)
    idxs = jnp.transpose(idxs)  # [B, G]
    centers = xyz[jnp.arange(B)[:, None], idxs]  # [B, G, 3]
    return centers


def reference(xyz):
    """Faithful translation of Group.forward: FPS centers, kNN grouping, re-center."""
    B, N, _ = xyz.shape
    center = _fps(xyz, NUM_GROUP)  # [B, G, 3]
    # kNN: squared distances center -> all points, take GROUP_SIZE nearest
    d2 = jnp.sum((center[:, :, None, :] - xyz[:, None, :, :]) ** 2, axis=-1)  # [B, G, N]
    _, idx = jax.lax.top_k(-d2, GROUP_SIZE)  # [B, G, M], nearest-first
    assert idx.shape[1] == NUM_GROUP
    assert idx.shape[2] == GROUP_SIZE
    idx_base = jnp.arange(B, dtype=idx.dtype)[:, None, None] * N
    idx_flat = (idx + idx_base).reshape(-1)
    temp = xyz.reshape(B * N, 3)
    neighborhood = temp[idx_flat, :]
    neighborhood = neighborhood.reshape(B, NUM_GROUP, GROUP_SIZE, 3)
    neighborhood = neighborhood - center[:, :, None, :]
    return (neighborhood, center)

if __name__ == "__main__":
    import jax
    _d = setup_inputs()
    print(jax.jit(kernel)(*tuple(_d.values())))

</pallas_src>

<mosaic_0001>
#map = affine_map<(d0, d1) -> (0)>
#map1 = affine_map<(d0, d1) -> (0, 0)>
module attributes {stable_mosaic.version = 14 : i64} {
  func.func @_sel_body(%arg0: i32, %arg1: i32, %arg2: memref<196608xf32, #tpu.memory_space<hbm>>, %arg3: memref<6144xf32, #tpu.memory_space<hbm>>, %arg4: memref<2048xf32, #tpu.memory_space<hbm>>, %arg5: memref<262144x128xf32, #tpu.memory_space<hbm>>, %arg6: memref<262144xf32, #tpu.memory_space<hbm>>, %arg7: memref<196608xf32, #tpu.memory_space<hbm>>, %arg8: memref<16384xf32, #tpu.memory_space<vmem>>, %arg9: memref<16384xf32, #tpu.memory_space<vmem>>, %arg10: memref<16384xf32, #tpu.memory_space<vmem>>, %arg11: memref<512xf32, #tpu.memory_space<vmem>>, %arg12: memref<512xf32, #tpu.memory_space<vmem>>, %arg13: memref<512xf32, #tpu.memory_space<vmem>>, %arg14: memref<64xf32, #tpu.memory_space<vmem>>, %arg15: memref<128xf32, #tpu.memory_space<vmem>>, %arg16: memref<144xi32, #tpu.memory_space<vmem>>, %arg17: memref<128x128xf32, #tpu.memory_space<vmem>>, %arg18: memref<1024xf32, #tpu.memory_space<vmem>>, %arg19: memref<1024xi32, #tpu.memory_space<vmem>>, %arg20: memref<6144xf32, #tpu.memory_space<vmem>>) attributes {dimension_semantics = [#tpu.dimension_semantics<core_parallel>, #tpu.dimension_semantics<subcore_parallel>], iteration_bounds = array<i64: 2, 16>, scalar_prefetch = 0 : i64, scratch_operands = 13 : i64, tpu.core_type = #tpu.core_type<sc_vector_subcore>, window_params = [{transform_indices = #map}, {transform_indices = #map}, {transform_indices = #map}, {transform_indices = #map1}, {transform_indices = #map}, {transform_indices = #map}]} {
    %mul3A = arith.constant 2 : i32
    %mul3A_0 = arith.muli %arg1, %mul3A : i32
    %add3A = arith.addi %mul3A_0, %arg0 : i32
    %jit3A = arith.constant 8 : i32
    %div3A = arith.divsi %add3A, %jit3A : i32
    %sign3A = arith.constant 0 : i32
    %sign3A_1 = arith.cmpi sgt, %add3A, %sign3A : i32
    %sign3A_2 = arith.extui %sign3A_1 : i1 to i32
    %sign3A_3 = arith.constant 0 : i32
    %sign3A_4 = arith.cmpi slt, %add3A, %sign3A_3 : i32
    %sign3A_5 = arith.extui %sign3A_4 : i1 to i32
    %sign3A_6 = arith.subi %sign3A_2, %sign3A_5 : i32
    %sign3A_7 = arith.constant 0 : i32
    %sign3A_8 = arith.cmpi sgt, %jit3A, %sign3A_7 : i32
    %sign3A_9 = arith.extui %sign3A_8 : i1 to i32
    %sign3A_10 = arith.constant 0 : i32
    %sign3A_11 = arith.cmpi slt, %jit3A, %sign3A_10 : i32
    %sign3A_12 = arith.extui %sign3A_11 : i1 to i32
    %sign3A_13 = arith.subi %sign3A_9, %sign3A_12 : i32
    %ne3A = arith.cmpi ne, %sign3A_6, %sign3A_13 : i32
    %rem3A = arith.remsi %add3A, %jit3A : i32
    %ne3A_14 = arith.constant 0 : i32
    %ne3A_15 = arith.cmpi ne, %rem3A, %ne3A_14 : i32
    %and3A = arith.andi %ne3A, %ne3A_15 : i1
    %sub3A = arith.constant 1 : i32
    %sub3A_16 = arith.subi %div3A, %sub3A : i32
    %select_n3A = arith.select %and3A, %sub3A_16, %div3A : i32
    %jit3A_17 = arith.constant 8 : i32
    %eq3A = arith.constant 0 : i32
    %eq3A_18 = arith.cmpi eq, %jit3A_17, %eq3A : i32
    %jit3A_19 = arith.constant 1 : i32
    %select_n3A_20 = arith.select %eq3A_18, %jit3A_19, %jit3A_17 : i32
    %rem3A_21 = arith.remsi %add3A, %select_n3A_20 : i32
    %ne3A_22 = arith.constant 0 : i32
    %ne3A_23 = arith.cmpi ne, %rem3A_21, %ne3A_22 : i32
    %lt3A = arith.constant 0 : i32
    %lt3A_24 = arith.cmpi slt, %rem3A_21, %lt3A : i32
    %lt3A_25 = arith.constant 0 : i32
    %lt3A_26 = arith.cmpi slt, %select_n3A_20, %lt3A_25 : i32
    %ne3A_27 = arith.xori %lt3A_24, %lt3A_26 : i1
    %and3A_28 = arith.andi %ne3A_27, %ne3A_23 : i1
    %add3A_29 = arith.addi %rem3A_21, %select_n3A_20 : i32
    %select_n3A_30 = arith.select %and3A_28, %add3A_29, %rem3A_21 : i32
    %mul3A_31 = arith.constant 3 : i32
    %mul3A_32 = arith.muli %select_n3A, %mul3A_31 : i32
    %mul3A_33 = arith.constant 16384 : i32
    %mul3A_34 = arith.muli %mul3A_32, %mul3A_33 : i32
    "tpu.region"() ({
      %run_scoped3A = tpu.sem_alloc : memref<!tpu.dma_semaphore, #tpu.memory_space<semaphore_mem>>
      %dma_start3A = tpu.memref_slice %arg2[%mul3A_34] : memref<196608xf32, #tpu.memory_space<hbm>> -> memref<16384xf32, #tpu.memory_space<hbm>>
      %dma_start3A_89 = tpu.memref_slice %arg2[%mul3A_34] : memref<196608xf32, #tpu.memory_space<hbm>> -> memref<16384xf32, #tpu.memory_space<hbm>>
      tpu.enqueue_dma source(%dma_start3A_89 : memref<16384xf32, #tpu.memory_space<hbm>>) target(%arg8 : memref<16384xf32, #tpu.memory_space<vmem>>) target_semaphore(%run_scoped3A : memref<!tpu.dma_semaphore, #tpu.memory_space<semaphore_mem>>)
      %dma_wait3A = tpu.memref_slice %arg2[%mul3A_34] : memref<196608xf32, #tpu.memory_space<hbm>> -> memref<16384xf32, #tpu.memory_space<hbm>>
      %dma_wait3A_90 = tpu.memref_slice %arg2[%mul3A_34] : memref<196608xf32, #tpu.memory_space<hbm>> -> memref<16384xf32, #tpu.memory_space<hbm>>
      tpu.wait_dma2 semaphore(%run_scoped3A : memref<!tpu.dma_semaphore, #tpu.memory_space<semaphore_mem>>) src(%dma_wait3A_90 : memref<16384xf32, #tpu.memory_space<hbm>>) dst(%arg8 : memref<16384xf32, #tpu.memory_space<vmem>>)
      tpu.yield
    }) : () -> ()
    %mul3A_35 = arith.constant 3 : i32
    %mul3A_36 = arith.muli %select_n3A, %mul3A_35 : i32
    %add3A_37 = arith.constant 1 : i32
    %add3A_38 = arith.addi %mul3A_36, %add3A_37 : i32
    %mul3A_39 = arith.constant 16384 : i32
    %mul3A_40 = arith.muli %add3A_38, %mul3A_39 : i32
    "tpu.region"() ({
      %run_scoped3A = tpu.sem_alloc : memref<!tpu.dma_semaphore, #tpu.memory_space<semaphore_mem>>
      %dma_start3A = tpu.memref_slice %arg2[%mul3A_40] : memref<196608xf32, #tpu.memory_space<hbm>> -> memref<16384xf32, #tpu.memory_space<hbm>>
      %dma_start3A_89 = tpu.memref_slice %arg2[%mul3A_40] : memref<196608xf32, #tpu.memory_space<hbm>> -> memref<16384xf32, #tpu.memory_space<hbm>>
      tpu.enqueue_dma source(%dma_start3A_89 : memref<16384xf32, #tpu.memory_space<hbm>>) target(%arg9 : memref<16384xf32, #tpu.memory_space<vmem>>) target_semaphore(%run_scoped3A : memref<!tpu.dma_semaphore, #tpu.memory_space<semaphore_mem>>)
      %dma_wait3A = tpu.memref_slice %arg2[%mul3A_40] : memref<196608xf32, #tpu.memory_space<hbm>> -> memref<16384xf32, #tpu.memory_space<hbm>>
      %dma_wait3A_90 = tpu.memref_slice %arg2[%mul3A_40] : memref<196608xf32, #tpu.memory_space<hbm>> -> memref<16384xf32, #tpu.memory_space<hbm>>
      tpu.wait_dma2 semaphore(%run_scoped3A : memref<!tpu.dma_semaphore, #tpu.memory_space<semaphore_mem>>) src(%dma_wait3A_90 : memref<16384xf32, #tpu.memory_space<hbm>>) dst(%arg9 : memref<16384xf32, #tpu.memory_space<vmem>>)
      tpu.yield
    }) : () -> ()
    %mul3A_41 = arith.constant 3 : i32
    %mul3A_42 = arith.muli %select_n3A, %mul3A_41 : i32
    %add3A_43 = arith.constant 2 : i32
    %add3A_44 = arith.addi %mul3A_42, %add3A_43 : i32
    %mul3A_45 = arith.constant 16384 : i32
    %mul3A_46 = arith.muli %add3A_44, %mul3A_45 : i32
    "tpu.region"() ({
      %run_scoped3A = tpu.sem_alloc : memref<!tpu.dma_semaphore, #tpu.memory_space<semaphore_mem>>
      %dma_start3A = tpu.memref_slice %arg2[%mul3A_46] : memref<196608xf32, #tpu.memory_space<hbm>> -> memref<16384xf32, #tpu.memory_space<hbm>>
      %dma_start3A_89 = tpu.memref_slice %arg2[%mul3A_46] : memref<196608xf32, #tpu.memory_space<hbm>> -> memref<16384xf32, #tpu.memory_space<hbm>>
      tpu.enqueue_dma source(%dma_start3A_89 : memref<16384xf32, #tpu.memory_space<hbm>>) target(%arg10 : memref<16384xf32, #tpu.memory_space<vmem>>) target_semaphore(%run_scoped3A : memref<!tpu.dma_semaphore, #tpu.memory_space<semaphore_mem>>)
      %dma_wait3A = tpu.memref_slice %arg2[%mul3A_46] : memref<196608xf32, #tpu.memory_space<hbm>> -> memref<16384xf32, #tpu.memory_space<hbm>>
      %dma_wait3A_90 = tpu.memref_slice %arg2[%mul3A_46] : memref<196608xf32, #tpu.memory_space<hbm>> -> memref<16384xf32, #tpu.memory_space<hbm>>
      tpu.wait_dma2 semaphore(%run_scoped3A : memref<!tpu.dma_semaphore, #tpu.memory_space<semaphore_mem>>) src(%dma_wait3A_90 : memref<16384xf32, #tpu.memory_space<hbm>>) dst(%arg10 : memref<16384xf32, #tpu.memory_space<vmem>>)
      tpu.yield
    }) : () -> ()
    %mul3A_47 = arith.constant 3 : i32
    %mul3A_48 = arith.muli %select_n3A, %mul3A_47 : i32
    %mul3A_49 = arith.constant 512 : i32
    %mul3A_50 = arith.muli %mul3A_48, %mul3A_49 : i32
    "tpu.region"() ({
      %run_scoped3A = tpu.sem_alloc : memref<!tpu.dma_semaphore, #tpu.memory_space<semaphore_mem>>
      %dma_start3A = tpu.memref_slice %arg3[%mul3A_50] : memref<6144xf32, #tpu.memory_space<hbm>> -> memref<512xf32, #tpu.memory_space<hbm>>
      %dma_start3A_89 = tpu.memref_slice %arg3[%mul3A_50] : memref<6144xf32, #tpu.memory_space<hbm>> -> memref<512xf32, #tpu.memory_space<hbm>>
      tpu.enqueue_dma source(%dma_start3A_89 : memref<512xf32, #tpu.memory_space<hbm>>) target(%arg11 : memref<512xf32, #tpu.memory_space<vmem>>) target_semaphore(%run_scoped3A : memref<!tpu.dma_semaphore, #tpu.memory_space<semaphore_mem>>)
      %dma_wait3A = tpu.memref_slice %arg3[%mul3A_50] : memref<6144xf32, #tpu.memory_space<hbm>> -> memref<512xf32, #tpu.memory_space<hbm>>
      %dma_wait3A_90 = tpu.memref_slice %arg3[%mul3A_50] : memref<6144xf32, #tpu.memory_space<hbm>> -> memref<512xf32, #tpu.memory_space<hbm>>
      tpu.wait_dma2 semaphore(%run_scoped3A : memref<!tpu.dma_semaphore, #tpu.memory_space<semaphore_mem>>) src(%dma_wait3A_90 : memref<512xf32, #tpu.memory_space<hbm>>) dst(%arg11 : memref<512xf32, #tpu.memory_space<vmem>>)
      tpu.yield
    }) : () -> ()
    %mul3A_51 = arith.constant 3 : i32
    %mul3A_52 = arith.muli %select_n3A, %mul3A_51 : i32
    %add3A_53 = arith.constant 1 : i32
    %add3A_54 = arith.addi %mul3A_52, %add3A_53 : i32
    %mul3A_55 = arith.constant 512 : i32
    %mul3A_56 = arith.muli %add3A_54, %mul3A_55 : i32
    "tpu.region"() ({
      %run_scoped3A = tpu.sem_alloc : memref<!tpu.dma_semaphore, #tpu.memory_space<semaphore_mem>>
      %dma_start3A = tpu.memref_slice %arg3[%mul3A_56] : memref<6144xf32, #tpu.memory_space<hbm>> -> memref<512xf32, #tpu.memory_space<hbm>>
      %dma_start3A_89 = tpu.memref_slice %arg3[%mul3A_56] : memref<6144xf32, #tpu.memory_space<hbm>> -> memref<512xf32, #tpu.memory_space<hbm>>
      tpu.enqueue_dma source(%dma_start3A_89 : memref<512xf32, #tpu.memory_space<hbm>>) target(%arg12 : memref<512xf32, #tpu.memory_space<vmem>>) target_semaphore(%run_scoped3A : memref<!tpu.dma_semaphore, #tpu.memory_space<semaphore_mem>>)
      %dma_wait3A = tpu.memref_slice %arg3[%mul3A_56] : memref<6144xf32, #tpu.memory_space<hbm>> -> memref<512xf32, #tpu.memory_space<hbm>>
      %dma_wait3A_90 = tpu.memref_slice %arg3[%mul3A_56] : memref<6144xf32, #tpu.memory_space<hbm>> -> memref<512xf32, #tpu.memory_space<hbm>>
      tpu.wait_dma2 semaphore(%run_scoped3A : memref<!tpu.dma_semaphore, #tpu.memory_space<semaphore_mem>>) src(%dma_wait3A_90 : memref<512xf32, #tpu.memory_space<hbm>>) dst(%arg12 : memref<512xf32, #tpu.memory_space<vmem>>)
      tpu.yield
    }) : () -> ()
    %mul3A_57 = arith.constant 3 : i32
    %mul3A_58 = arith.muli %select_n3A, %mul3A_57 : i32
    %add3A_59 = arith.constant 2 : i32
    %add3A_60 = arith.addi %mul3A_58, %add3A_59 : i32
    %mul3A_61 = arith.constant 512 : i32
    %mul3A_62 = arith.muli %add3A_60, %mul3A_61 : i32
    "tpu.region"() ({
      %run_scoped3A = tpu.sem_alloc : memref<!tpu.dma_semaphore, #tpu.memory_space<semaphore_mem>>
      %dma_start3A = tpu.memref_slice %arg3[%mul3A_62] : memref<6144xf32, #tpu.memory_space<hbm>> -> memref<512xf32, #tpu.memory_space<hbm>>
      %dma_start3A_89 = tpu.memref_slice %arg3[%mul3A_62] : memref<6144xf32, #tpu.memory_space<hbm>> -> memref<512xf32, #tpu.memory_space<hbm>>
      tpu.enqueue_dma source(%dma_start3A_89 : memref<512xf32, #tpu.memory_space<hbm>>) target(%arg13 : memref<512xf32, #tpu.memory_space<vmem>>) target_semaphore(%run_scoped3A : memref<!tpu.dma_semaphore, #tpu.memory_space<semaphore_mem>>)
      %dma_wait3A = tpu.memref_slice %arg3[%mul3A_62] : memref<6144xf32, #tpu.memory_space<hbm>> -> memref<512xf32, #tpu.memory_space<hbm>>
      %dma_wait3A_90 = tpu.memref_slice %arg3[%mul3A_62] : memref<6144xf32, #tpu.memory_space<hbm>> -> memref<512xf32, #tpu.memory_space<hbm>>
      tpu.wait_dma2 semaphore(%run_scoped3A : memref<!tpu.dma_semaphore, #tpu.memory_space<semaphore_mem>>) src(%dma_wait3A_90 : memref<512xf32, #tpu.memory_space<hbm>>) dst(%arg13 : memref<512xf32, #tpu.memory_space<vmem>>)
      tpu.yield
    }) : () -> ()
    %mul3A_63 = arith.constant 512 : i32
    %mul3A_64 = arith.muli %select_n3A, %mul3A_63 : i32
    %mul3A_65 = arith.constant 64 : i32
    %mul3A_66 = arith.muli %select_n3A_30, %mul3A_65 : i32
    %add3A_67 = arith.addi %mul3A_64, %mul3A_66 : i32
    "tpu.region"() ({
      %run_scoped3A = tpu.sem_alloc : memref<!tpu.dma_semaphore, #tpu.memory_space<semaphore_mem>>
      %dma_start3A = tpu.memref_slice %arg4[%add3A_67] : memref<2048xf32, #tpu.memory_space<hbm>> -> memref<64xf32, #tpu.memory_space<hbm>>
      %dma_start3A_89 = tpu.memref_slice %arg4[%add3A_67] : memref<2048xf32, #tpu.memory_space<hbm>> -> memref<64xf32, #tpu.memory_space<hbm>>
      tpu.enqueue_dma source(%dma_start3A_89 : memref<64xf32, #tpu.memory_space<hbm>>) target(%arg14 : memref<64xf32, #tpu.memory_space<vmem>>) target_semaphore(%run_scoped3A : memref<!tpu.dma_semaphore, #tpu.memory_space<semaphore_mem>>)
      %dma_wait3A = tpu.memref_slice %arg4[%add3A_67] : memref<2048xf32, #tpu.memory_space<hbm>> -> memref<64xf32, #tpu.memory_space<hbm>>
      %dma_wait3A_90 = tpu.memref_slice %arg4[%add3A_67] : memref<2048xf32, #tpu.memory_space<hbm>> -> memref<64xf32, #tpu.memory_space<hbm>>
      tpu.wait_dma2 semaphore(%run_scoped3A : memref<!tpu.dma_semaphore, #tpu.memory_space<semaphore_mem>>) src(%dma_wait3A_90 : memref<64xf32, #tpu.memory_space<hbm>>) dst(%arg14 : memref<64xf32, #tpu.memory_space<vmem>>)
      tpu.yield
    }) : () -> ()
    %iota3A = tpu.iota {dimensions = array<i32: 0>} : vector<16xi32>
    %broadcast_in_dim3A = arith.constant 0x7F800000 : f32
    %broadcast_in_dim3A_68 = vector.broadcast %broadcast_in_dim3A : f32 to vector<16xf32>
    %broadcast_in_dim3A_69 = arith.constant 1073741824 : i32
    %broadcast_in_dim3A_70 = vector.broadcast %broadcast_in_dim3A_69 : i32 to vector<16xi32>
    %scan3A = arith.constant 0 : i32
    %scan3A_71 = arith.constant 0 : i32
    %scan3A_72 = arith.constant 64 : i32
    %scan3A_73 = arith.addi %scan3A_71, %scan3A_72 : i32
    %scan3A_74 = arith.constant 1 : i32
    scf.for %scan3A_89 = %scan3A_71 to %scan3A_73 step %scan3A_74  : i32 {
      %add3A_90 = arith.addi %add3A_67, %scan3A_89 : i32
      %mul3A_91 = arith.constant 128 : i32
      %mul3A_92 = arith.muli %add3A_90, %mul3A_91 : i32
      "tpu.region"() ({
        %run_scoped3A = tpu.sem_alloc : memref<!tpu.dma_semaphore, #tpu.memory_space<semaphore_mem>>
        %dma_start3A = tpu.memref_slice %arg6[%mul3A_92] : memref<262144xf32, #tpu.memory_space<hbm>> -> memref<128xf32, #tpu.memory_space<hbm>>
        %dma_start3A_195 = tpu.memref_slice %arg6[%mul3A_92] : memref<262144xf32, #tpu.memory_space<hbm>> -> memref<128xf32, #tpu.memory_space<hbm>>
        tpu.enqueue_dma source(%dma_start3A_195 : memref<128xf32, #tpu.memory_space<hbm>>) target(%arg15 : memref<128xf32, #tpu.memory_space<vmem>>) target_semaphore(%run_scoped3A : memref<!tpu.dma_semaphore, #tpu.memory_space<semaphore_mem>>)
        %dma_wait3A = tpu.memref_slice %arg6[%mul3A_92] : memref<262144xf32, #tpu.memory_space<hbm>> -> memref<128xf32, #tpu.memory_space<hbm>>
        %dma_wait3A_196 = tpu.memref_slice %arg6[%mul3A_92] : memref<262144xf32, #tpu.memory_space<hbm>> -> memref<128xf32, #tpu.memory_space<hbm>>
        tpu.wait_dma2 semaphore(%run_scoped3A : memref<!tpu.dma_semaphore, #tpu.memory_space<semaphore_mem>>) src(%dma_wait3A_196 : memref<128xf32, #tpu.memory_space<hbm>>) dst(%arg15 : memref<128xf32, #tpu.memory_space<vmem>>)
        tpu.yield
      }) : () -> ()
      %broadcast_in_dim3A_93 = vector.broadcast %scan3A_89 : i32 to vector<16xi32>
      %gather3A = tpu.vector_load_idx %arg14[%broadcast_in_dim3A_93] : memref<64xf32, #tpu.memory_space<vmem>>[vector<16xi32>], vector<16xf32>,
      %scan3A_94 = arith.constant 0 : i32
      %scan3A_95 = arith.constant 0 : i32
      %scan3A_96 = arith.constant 8 : i32
      %scan3A_97 = arith.addi %scan3A_95, %scan3A_96 : i32
      %scan3A_98 = arith.constant 1 : i32
      %scan3A_99 = scf.for %scan3A_195 = %scan3A_95 to %scan3A_97 step %scan3A_98 iter_args(%scan3A_196 = %scan3A_94) -> (i32)  : i32 {
        %mul3A_197 = arith.constant 16 : i32
        %mul3A_198 = arith.muli %scan3A_195, %mul3A_197 : i32
        %get3A = arith.index_cast %mul3A_198 : i32 to index
        %get3A_199 = tpu.vector_load %arg15[%get3A] {strides = array<i32>} : memref<128xf32, #tpu.memory_space<vmem>>, vector<16xf32>,
        %le3A_200 = arith.cmpf ole, %get3A_199, %gather3A : vector<16xf32>
        %mul3A_201 = arith.constant 16 : i32
        %mul3A_202 = arith.muli %scan3A_195, %mul3A_201 : i32
        %add3A_203 = vector.broadcast %mul3A_202 : i32 to vector<16xi32>
        %add3A_204 = arith.addi %add3A_203, %iota3A : vector<16xi32>
        %swap3A_205 = arith.index_cast %scan3A_196 : i32 to index
        %swap3A_206 = tpu.vector_load %arg16[%swap3A_205] masked %le3A_200 {strides = array<i32>} : memref<144xi32, #tpu.memory_space<vmem>>, vector<16xi32>, vector<16xi1>
        tpu.vector_store %arg16[%swap3A_205], %add3A_204 masked %le3A_200 {strides = array<i32>} : memref<144xi32, #tpu.memory_space<vmem>>, vector<16xi32>, vector<16xi1>
        %convert_element_type3A_207 = arith.extui %le3A_200 : vector<16xi1> to vector<16xi32>
        %reduce_sum3A = arith.constant true
        %reduce_sum3A_208 = vector.broadcast %reduce_sum3A : i1 to vector<16xi1>
        %reduce_sum3A_209 = tpu.scan <sum>, %convert_element_type3A_207 masked %reduce_sum3A_208 : vector<16xi32>, vector<16xi1> -> vector<16xi32>
        %reduce_sum3A_210 = vector.extract %reduce_sum3A_209[15] : i32 from vector<16xi32>
        %add3A_211 = arith.addi %scan3A_196, %reduce_sum3A_210 : i32
        scf.yield %add3A_211 : i32
      }
      %scan3A_100 = arith.constant 8 : i32
      %add3A_101 = arith.addi %add3A_67, %scan3A_89 : i32
      %mul3A_102 = arith.constant 128 : i32
      %mul3A_103 = arith.muli %add3A_101, %mul3A_102 : i32
      "tpu.region"() ({
        %run_scoped3A = tpu.sem_alloc : memref<!tpu.dma_semaphore, #tpu.memory_space<semaphore_mem>>
        %dma_start3A = arith.constant 0 : i32
        %dma_start3A_195 = tpu.memref_slice %arg5[%mul3A_103, %dma_start3A] : memref<262144x128xf32, #tpu.memory_space<hbm>> -> memref<128x128xf32, #tpu.memory_space<hbm>>
        %dma_start3A_196 = arith.constant 0 : i32
        %dma_start3A_197 = tpu.memref_slice %arg5[%mul3A_103, %dma_start3A_196] : memref<262144x128xf32, #tpu.memory_space<hbm>> -> memref<128x128xf32, #tpu.memory_space<hbm>>
        tpu.enqueue_dma source(%dma_start3A_197 : memref<128x128xf32, #tpu.memory_space<hbm>>) target(%arg17 : memref<128x128xf32, #tpu.memory_space<vmem>>) target_semaphore(%run_scoped3A : memref<!tpu.dma_semaphore, #tpu.memory_space<semaphore_mem>>)
        %dma_wait3A = arith.constant 0 : i32
        %dma_wait3A_198 = tpu.memref_slice %arg5[%mul3A_103, %dma_wait3A] : memref<262144x128xf32, #tpu.memory_space<hbm>> -> memref<128x128xf32, #tpu.memory_space<hbm>>
        %dma_wait3A_199 = arith.constant 0 : i32
        %dma_wait3A_200 = tpu.memref_slice %arg5[%mul3A_103, %dma_wait3A_199] : memref<262144x128xf32, #tpu.memory_space<hbm>> -> memref<128x128xf32, #tpu.memory_space<hbm>>
        tpu.wait_dma2 semaphore(%run_scoped3A : memref<!tpu.dma_semaphore, #tpu.memory_space<semaphore_mem>>) src(%dma_wait3A_200 : memref<128x128xf32, #tpu.memory_space<hbm>>) dst(%arg17 : memref<128x128xf32, #tpu.memory_space<vmem>>)
        tpu.yield
      }) : () -> ()
      %while3A = arith.constant 0 : i32
      %while3A_104 = arith.constant 0 : i32
      %while3A_105 = arith.constant 0 : i32
      %while3A_106 = arith.subi %scan3A_99, %while3A : i32
      %while3A_107 = arith.addi %while3A, %while3A_106 : i32
      %while3A_108 = arith.constant 1 : i32
      %while3A_109 = arith.divsi %while3A_106, %while3A_108 : i32
      %while3A_110 = arith.muli %while3A_109, %while3A_108 : i32
      %while3A_111 = arith.addi %while3A, %while3A_110 : i32
      %while3A_112 = arith.constant 1 : i32
      %while3A_113:2 = scf.for %while3A_195 = %while3A to %while3A_111 step %while3A_112 iter_args(%while3A_196 = %while3A_104, %while3A_197 = %while3A_105) -> (i32, i32)  : i32 {
        %broadcast_in_dim3A_198 = vector.broadcast %while3A_195 : i32 to vector<16xi32>
        %gather3A_199 = tpu.vector_load_idx %arg16[%broadcast_in_dim3A_198] : memref<144xi32, #tpu.memory_space<vmem>>[vector<16xi32>], vector<16xi32>,
        %eq3A_200 = arith.constant 0 : i32
        %eq3A_201 = vector.broadcast %eq3A_200 : i32 to vector<16xi32>
        %eq3A_202 = arith.cmpi eq, %iota3A, %eq3A_201 : vector<16xi32>
        %jit3A_203 = arith.constant 0 : i32
        %broadcast_in_dim3A_204 = vector.broadcast %jit3A_203 : i32 to vector<16xi32>
        %select_n3A_205 = arith.select %eq3A_202, %gather3A_199, %broadcast_in_dim3A_204 : vector<16xi1>, vector<16xi32>
        %reduce_sum3A = arith.constant true
        %reduce_sum3A_206 = vector.broadcast %reduce_sum3A : i1 to vector<16xi1>
        %reduce_sum3A_207 = tpu.scan <sum>, %select_n3A_205 masked %reduce_sum3A_206 : vector<16xi32>, vector<16xi1> -> vector<16xi32>
        %reduce_sum3A_208 = vector.extract %reduce_sum3A_207[15] : i32 from vector<16xi32>
        %mul3A_209 = arith.constant 128 : i32
        %mul3A_210 = arith.muli %reduce_sum3A_208, %mul3A_209 : i32
        %scan3A_211 = arith.constant 0 : i32
        %scan3A_212 = arith.constant 8 : i32
        %scan3A_213 = arith.addi %scan3A_211, %scan3A_212 : i32
        %scan3A_214 = arith.constant 1 : i32
        %scan3A_215:2 = scf.for %scan3A_217 = %scan3A_211 to %scan3A_213 step %scan3A_214 iter_args(%scan3A_218 = %while3A_196, %scan3A_219 = %while3A_197) -> (i32, i32)  : i32 {
          %mul3A_220 = arith.constant 16 : i32
          %mul3A_221 = arith.muli %scan3A_217, %mul3A_220 : i32
          %get3A = arith.index_cast %reduce_sum3A_208 : i32 to index
          %get3A_222 = arith.index_cast %mul3A_221 : i32 to index
          %get3A_223 = tpu.vector_load %arg17[%get3A, %get3A_222] {strides = array<i32>} : memref<128x128xf32, #tpu.memory_space<vmem>>, vector<16xf32>,
          %le3A_224 = arith.cmpf ole, %get3A_223, %gather3A : vector<16xf32>
          %swap3A_225 = arith.index_cast %scan3A_218 : i32 to index
          %swap3A_226 = tpu.vector_load %arg18[%swap3A_225] masked %le3A_224 {strides = array<i32>} : memref<1024xf32, #tpu.memory_space<vmem>>, vector<16xf32>, vector<16xi1>
          tpu.vector_store %arg18[%swap3A_225], %get3A_223 masked %le3A_224 {strides = array<i32>} : memref<1024xf32, #tpu.memory_space<vmem>>, vector<16xf32>, vector<16xi1>
          %mul3A_227 = arith.constant 16 : i32
          %mul3A_228 = arith.muli %scan3A_217, %mul3A_227 : i32
          %add3A_229 = arith.addi %mul3A_210, %mul3A_228 : i32
          %add3A_230 = vector.broadcast %add3A_229 : i32 to vector<16xi32>
          %add3A_231 = arith.addi %add3A_230, %iota3A : vector<16xi32>
          %swap3A_232 = arith.index_cast %scan3A_218 : i32 to index
          %swap3A_233 = tpu.vector_load %arg19[%swap3A_232] masked %le3A_224 {strides = array<i32>} : memref<1024xi32, #tpu.memory_space<vmem>>, vector<16xi32>, vector<16xi1>
          tpu.vector_store %arg19[%swap3A_232], %add3A_231 masked %le3A_224 {strides = array<i32>} : memref<1024xi32, #tpu.memory_space<vmem>>, vector<16xi32>, vector<16xi1>
          %convert_element_type3A_234 = arith.extui %le3A_224 : vector<16xi1> to vector<16xi32>
          %reduce_sum3A_235 = arith.constant true
          %reduce_sum3A_236 = vector.broadcast %reduce_sum3A_235 : i1 to vector<16xi1>
          %reduce_sum3A_237 = tpu.scan <sum>, %convert_element_type3A_234 masked %reduce_sum3A_236 : vector<16xi32>, vector<16xi1> -> vector<16xi32>
          %reduce_sum3A_238 = vector.extract %reduce_sum3A_237[15] : i32 from vector<16xi32>
          %add3A_239 = arith.addi %scan3A_218, %reduce_sum3A_238 : i32
          %min3A = arith.constant 1008 : i32
          %min3A_240 = arith.minsi %add3A_239, %min3A : i32
          %add3A_241 = arith.addi %scan3A_219, %reduce_sum3A_238 : i32
          scf.yield %min3A_240, %add3A_241 : i32, i32
        }
        %scan3A_216 = arith.constant 8 : i32
        scf.yield %scan3A_215#0, %scan3A_215#1 : i32, i32
      }
      %while3A_114 = arith.constant 1 : i32
      %while3A_115:2 = scf.for %while3A_195 = %while3A_111 to %while3A_107 step %while3A_114 iter_args(%while3A_196 = %while3A_113#0, %while3A_197 = %while3A_113#1) -> (i32, i32)  : i32 {
        %broadcast_in_dim3A_198 = vector.broadcast %while3A_195 : i32 to vector<16xi32>
        %gather3A_199 = tpu.vector_load_idx %arg16[%broadcast_in_dim3A_198] : memref<144xi32, #tpu.memory_space<vmem>>[vector<16xi32>], vector<16xi32>,
        %eq3A_200 = arith.constant 0 : i32
        %eq3A_201 = vector.broadcast %eq3A_200 : i32 to vector<16xi32>
        %eq3A_202 = arith.cmpi eq, %iota3A, %eq3A_201 : vector<16xi32>
        %jit3A_203 = arith.constant 0 : i32
        %broadcast_in_dim3A_204 = vector.broadcast %jit3A_203 : i32 to vector<16xi32>
        %select_n3A_205 = arith.select %eq3A_202, %gather3A_199, %broadcast_in_dim3A_204 : vector<16xi1>, vector<16xi32>
        %reduce_sum3A = arith.constant true
        %reduce_sum3A_206 = vector.broadcast %reduce_sum3A : i1 to vector<16xi1>
        %reduce_sum3A_207 = tpu.scan <sum>, %select_n3A_205 masked %reduce_sum3A_206 : vector<16xi32>, vector<16xi1> -> vector<16xi32>
        %reduce_sum3A_208 = vector.extract %reduce_sum3A_207[15] : i32 from vector<16xi32>
        %mul3A_209 = arith.constant 128 : i32
        %mul3A_210 = arith.muli %reduce_sum3A_208, %mul3A_209 : i32
        %scan3A_211 = arith.constant 0 : i32
        %scan3A_212 = arith.constant 8 : i32
        %scan3A_213 = arith.addi %scan3A_211, %scan3A_212 : i32
        %scan3A_214 = arith.constant 1 : i32
        %scan3A_215:2 = scf.for %scan3A_217 = %scan3A_211 to %scan3A_213 step %scan3A_214 iter_args(%scan3A_218 = %while3A_196, %scan3A_219 = %while3A_197) -> (i32, i32)  : i32 {
          %mul3A_220 = arith.constant 16 : i32
          %mul3A_221 = arith.muli %scan3A_217, %mul3A_220 : i32
          %get3A = arith.index_cast %reduce_sum3A_208 : i32 to index
          %get3A_222 = arith.index_cast %mul3A_221 : i32 to index
          %get3A_223 = tpu.vector_load %arg17[%get3A, %get3A_222] {strides = array<i32>} : memref<128x128xf32, #tpu.memory_space<vmem>>, vector<16xf32>,
          %le3A_224 = arith.cmpf ole, %get3A_223, %gather3A : vector<16xf32>
          %swap3A_225 = arith.index_cast %scan3A_218 : i32 to index
          %swap3A_226 = tpu.vector_load %arg18[%swap3A_225] masked %le3A_224 {strides = array<i32>} : memref<1024xf32, #tpu.memory_space<vmem>>, vector<16xf32>, vector<16xi1>
          tpu.vector_store %arg18[%swap3A_225], %get3A_223 masked %le3A_224 {strides = array<i32>} : memref<1024xf32, #tpu.memory_space<vmem>>, vector<16xf32>, vector<16xi1>
          %mul3A_227 = arith.constant 16 : i32
          %mul3A_228 = arith.muli %scan3A_217, %mul3A_227 : i32
          %add3A_229 = arith.addi %mul3A_210, %mul3A_228 : i32
          %add3A_230 = vector.broadcast %add3A_229 : i32 to vector<16xi32>
          %add3A_231 = arith.addi %add3A_230, %iota3A : vector<16xi32>
          %swap3A_232 = arith.index_cast %scan3A_218 : i32 to index
          %swap3A_233 = tpu.vector_load %arg19[%swap3A_232] masked %le3A_224 {strides = array<i32>} : memref<1024xi32, #tpu.memory_space<vmem>>, vector<16xi32>, vector<16xi1>
          tpu.vector_store %arg19[%swap3A_232], %add3A_231 masked %le3A_224 {strides = array<i32>} : memref<1024xi32, #tpu.memory_space<vmem>>, vector<16xi32>, vector<16xi1>
          %convert_element_type3A_234 = arith.extui %le3A_224 : vector<16xi1> to vector<16xi32>
          %reduce_sum3A_235 = arith.constant true
          %reduce_sum3A_236 = vector.broadcast %reduce_sum3A_235 : i1 to vector<16xi1>
          %reduce_sum3A_237 = tpu.scan <sum>, %convert_element_type3A_234 masked %reduce_sum3A_236 : vector<16xi32>, vector<16xi1> -> vector<16xi32>
          %reduce_sum3A_238 = vector.extract %reduce_sum3A_237[15] : i32 from vector<16xi32>
          %add3A_239 = arith.addi %scan3A_218, %reduce_sum3A_238 : i32
          %min3A = arith.constant 1008 : i32
          %min3A_240 = arith.minsi %add3A_239, %min3A : i32
          %add3A_241 = arith.addi %scan3A_219, %reduce_sum3A_238 : i32
          scf.yield %min3A_240, %add3A_241 : i32, i32
        }
        %scan3A_216 = arith.constant 8 : i32
        scf.yield %scan3A_215#0, %scan3A_215#1 : i32, i32
      }
      %swap3A = arith.index_cast %while3A_115#0 : i32 to index
      %swap3A_116 = tpu.vector_load %arg18[%swap3A] {strides = array<i32>} : memref<1024xf32, #tpu.memory_space<vmem>>, vector<16xf32>,
      tpu.vector_store %arg18[%swap3A], %broadcast_in_dim3A_68 {strides = array<i32>} : memref<1024xf32, #tpu.memory_space<vmem>>, vector<16xf32>,
      %swap3A_117 = arith.index_cast %while3A_115#0 : i32 to index
      %swap3A_118 = tpu.vector_load %arg19[%swap3A_117] {strides = array<i32>} : memref<1024xi32, #tpu.memory_space<vmem>>, vector<16xi32>,
      tpu.vector_store %arg19[%swap3A_117], %broadcast_in_dim3A_70 {strides = array<i32>} : memref<1024xi32, #tpu.memory_space<vmem>>, vector<16xi32>,
      %jit3A_119 = arith.constant 16 : i32
      %div3A_120 = arith.divsi %while3A_115#0, %jit3A_119 : i32
      %sign3A_121 = arith.constant 0 : i32
      %sign3A_122 = arith.cmpi sgt, %while3A_115#0, %sign3A_121 : i32
      %sign3A_123 = arith.extui %sign3A_122 : i1 to i32
      %sign3A_124 = arith.constant 0 : i32
      %sign3A_125 = arith.cmpi slt, %while3A_115#0, %sign3A_124 : i32
      %sign3A_126 = arith.extui %sign3A_125 : i1 to i32
      %sign3A_127 = arith.subi %sign3A_123, %sign3A_126 : i32
      %sign3A_128 = arith.constant 0 : i32
      %sign3A_129 = arith.cmpi sgt, %jit3A_119, %sign3A_128 : i32
      %sign3A_130 = arith.extui %sign3A_129 : i1 to i32
      %sign3A_131 = arith.constant 0 : i32
      %sign3A_132 = arith.cmpi slt, %jit3A_119, %sign3A_131 : i32
      %sign3A_133 = arith.extui %sign3A_132 : i1 to i32
      %sign3A_134 = arith.subi %sign3A_130, %sign3A_133 : i32
      %ne3A_135 = arith.cmpi ne, %sign3A_127, %sign3A_134 : i32
      %rem3A_136 = arith.remsi %while3A_115#0, %jit3A_119 : i32
      %ne3A_137 = arith.constant 0 : i32
      %ne3A_138 = arith.cmpi ne, %rem3A_136, %ne3A_137 : i32
      %and3A_139 = arith.andi %ne3A_135, %ne3A_138 : i1
      %sub3A_140 = arith.constant 1 : i32
      %sub3A_141 = arith.subi %div3A_120, %sub3A_140 : i32
      %select_n3A_142 = arith.select %and3A_139, %sub3A_141, %div3A_120 : i32
      %add3A_143 = arith.constant 1 : i32
      %add3A_144 = arith.addi %select_n3A_142, %add3A_143 : i32
      %le3A = arith.constant 1008 : i32
      %le3A_145 = arith.cmpi sle, %while3A_115#1, %le3A : i32
      %convert_element_type3A = arith.extui %le3A_145 : i1 to i32
      %cond3A = arith.constant 0 : i32
      %cond3A_146 = arith.cmpi ne, %convert_element_type3A, %cond3A : i32
      %cond3A_147:2 = scf.if %cond3A_146 -> (vector<16xi32>, vector<16xi32>) {
        %broadcast_in_dim3A_195 = arith.constant 0 : i32
        %broadcast_in_dim3A_196 = vector.broadcast %broadcast_in_dim3A_195 : i32 to vector<16xi32>
        %scan3A_197 = arith.constant 0xFF800000 : f32
        %scan3A_198 = arith.constant -1 : i32
        %scan3A_199 = arith.constant 0 : i32
        %scan3A_200 = arith.constant 32 : i32
        %scan3A_201 = arith.addi %scan3A_199, %scan3A_200 : i32
        %scan3A_202 = arith.constant 1 : i32
        %scan3A_203:4 = scf.for %scan3A_205 = %scan3A_199 to %scan3A_201 step %scan3A_202 iter_args(%scan3A_206 = %scan3A_197, %scan3A_207 = %scan3A_198, %scan3A_208 = %broadcast_in_dim3A_196, %scan3A_209 = %broadcast_in_dim3A_196) -> (f32, i32, vector<16xi32>, vector<16xi32>)  : i32 {
          %while3A_210 = arith.constant 0 : i32
          %while3A_211 = arith.subi %add3A_144, %while3A_210 : i32
          %while3A_212 = arith.addi %while3A_210, %while3A_211 : i32
          %while3A_213 = arith.constant 1 : i32
          %while3A_214 = arith.divsi %while3A_211, %while3A_213 : i32
          %while3A_215 = arith.muli %while3A_214, %while3A_213 : i32
          %while3A_216 = arith.addi %while3A_210, %while3A_215 : i32
          %while3A_217 = arith.constant 1 : i32
          %while3A_218 = scf.for %while3A_253 = %while3A_210 to %while3A_216 step %while3A_217 iter_args(%while3A_254 = %broadcast_in_dim3A_68) -> (vector<16xf32>)  : i32 {
            %mul3A_255 = arith.constant 16 : i32
            %mul3A_256 = arith.muli %while3A_253, %mul3A_255 : i32
            %get3A = arith.index_cast %mul3A_256 : i32 to index
            %get3A_257 = tpu.vector_load %arg18[%get3A] {strides = array<i32>} : memref<1024xf32, #tpu.memory_space<vmem>>, vector<16xf32>,
            %mul3A_258 = arith.constant 16 : i32
            %mul3A_259 = arith.muli %while3A_253, %mul3A_258 : i32
            %get3A_260 = arith.index_cast %mul3A_259 : i32 to index
            %get3A_261 = tpu.vector_load %arg19[%get3A_260] {strides = array<i32>} : memref<1024xi32, #tpu.memory_space<vmem>>, vector<16xi32>,
            %gt3A = vector.broadcast %scan3A_206 : f32 to vector<16xf32>
            %gt3A_262 = arith.cmpf ogt, %get3A_257, %gt3A : vector<16xf32>
            %eq3A_263 = vector.broadcast %scan3A_206 : f32 to vector<16xf32>
            %eq3A_264 = arith.cmpf oeq, %get3A_257, %eq3A_263 : vector<16xf32>
            %gt3A_265 = vector.broadcast %scan3A_207 : i32 to vector<16xi32>
            %gt3A_266 = arith.cmpi sgt, %get3A_261, %gt3A_265 : vector<16xi32>
            %and3A_267 = arith.andi %eq3A_264, %gt3A_266 : vector<16xi1>
            %or3A = arith.ori %gt3A_262, %and3A_267 : vector<16xi1>
            %select_n3A_268 = arith.select %or3A, %get3A_257, %broadcast_in_dim3A_68 : vector<16xi1>, vector<16xf32>
            %min3A = arith.minimumf %while3A_254, %select_n3A_268 : vector<16xf32>
            scf.yield %min3A : vector<16xf32>
          }
          %while3A_219 = arith.constant 1 : i32
          %while3A_220 = scf.for %while3A_253 = %while3A_216 to %while3A_212 step %while3A_219 iter_args(%while3A_254 = %while3A_218) -> (vector<16xf32>)  : i32 {
            %mul3A_255 = arith.constant 16 : i32
            %mul3A_256 = arith.muli %while3A_253, %mul3A_255 : i32
            %get3A = arith.index_cast %mul3A_256 : i32 to index
            %get3A_257 = tpu.vector_load %arg18[%get3A] {strides = array<i32>} : memref<1024xf32, #tpu.memory_space<vmem>>, vector<16xf32>,
            %mul3A_258 = arith.constant 16 : i32
            %mul3A_259 = arith.muli %while3A_253, %mul3A_258 : i32
            %get3A_260 = arith.index_cast %mul3A_259 : i32 to index
            %get3A_261 = tpu.vector_load %arg19[%get3A_260] {strides = array<i32>} : memref<1024xi32, #tpu.memory_space<vmem>>, vector<16xi32>,
            %gt3A = vector.broadcast %scan3A_206 : f32 to vector<16xf32>
            %gt3A_262 = arith.cmpf ogt, %get3A_257, %gt3A : vector<16xf32>
            %eq3A_263 = vector.broadcast %scan3A_206 : f32 to vector<16xf32>
            %eq3A_264 = arith.cmpf oeq, %get3A_257, %eq3A_263 : vector<16xf32>
            %gt3A_265 = vector.broadcast %scan3A_207 : i32 to vector<16xi32>
            %gt3A_266 = arith.cmpi sgt, %get3A_261, %gt3A_265 : vector<16xi32>
            %and3A_267 = arith.andi %eq3A_264, %gt3A_266 : vector<16xi1>
            %or3A = arith.ori %gt3A_262, %and3A_267 : vector<16xi1>
            %select_n3A_268 = arith.select %or3A, %get3A_257, %broadcast_in_dim3A_68 : vector<16xi1>, vector<16xf32>
            %min3A = arith.minimumf %while3A_254, %select_n3A_268 : vector<16xf32>
            scf.yield %min3A : vector<16xf32>
          }
          %reduce_min3A = arith.constant true
          %reduce_min3A_221 = vector.broadcast %reduce_min3A : i1 to vector<16xi1>
          %reduce_min3A_222 = tpu.scan <min>, %while3A_220 masked %reduce_min3A_221 : vector<16xf32>, vector<16xi1> -> vector<16xf32>
          %reduce_min3A_223 = vector.extract %reduce_min3A_222[15] : f32 from vector<16xf32>
          %while3A_224 = arith.constant 0 : i32
          %while3A_225 = arith.subi %add3A_144, %while3A_224 : i32
          %while3A_226 = arith.addi %while3A_224, %while3A_225 : i32
          %while3A_227 = arith.constant 1 : i32
          %while3A_228 = arith.divsi %while3A_225, %while3A_227 : i32
          %while3A_229 = arith.muli %while3A_228, %while3A_227 : i32
          %while3A_230 = arith.addi %while3A_224, %while3A_229 : i32
          %while3A_231 = arith.constant 1 : i32
          %while3A_232 = scf.for %while3A_253 = %while3A_224 to %while3A_230 step %while3A_231 iter_args(%while3A_254 = %broadcast_in_dim3A_70) -> (vector<16xi32>)  : i32 {
            %mul3A_255 = arith.constant 16 : i32
            %mul3A_256 = arith.muli %while3A_253, %mul3A_255 : i32
            %get3A = arith.index_cast %mul3A_256 : i32 to index
            %get3A_257 = tpu.vector_load %arg18[%get3A] {strides = array<i32>} : memref<1024xf32, #tpu.memory_space<vmem>>, vector<16xf32>,
            %mul3A_258 = arith.constant 16 : i32
            %mul3A_259 = arith.muli %while3A_253, %mul3A_258 : i32
            %get3A_260 = arith.index_cast %mul3A_259 : i32 to index
            %get3A_261 = tpu.vector_load %arg19[%get3A_260] {strides = array<i32>} : memref<1024xi32, #tpu.memory_space<vmem>>, vector<16xi32>,
            %eq3A_262 = vector.broadcast %reduce_min3A_223 : f32 to vector<16xf32>
            %eq3A_263 = arith.cmpf oeq, %get3A_257, %eq3A_262 : vector<16xf32>
            %gt3A = vector.broadcast %scan3A_206 : f32 to vector<16xf32>
            %gt3A_264 = arith.cmpf ogt, %get3A_257, %gt3A : vector<16xf32>
            %gt3A_265 = vector.broadcast %scan3A_207 : i32 to vector<16xi32>
            %gt3A_266 = arith.cmpi sgt, %get3A_261, %gt3A_265 : vector<16xi32>
            %or3A = arith.ori %gt3A_264, %gt3A_266 : vector<16xi1>
            %and3A_267 = arith.andi %eq3A_263, %or3A : vector<16xi1>
            %select_n3A_268 = arith.select %and3A_267, %get3A_261, %broadcast_in_dim3A_70 : vector<16xi1>, vector<16xi32>
            %min3A = arith.minsi %while3A_254, %select_n3A_268 : vector<16xi32>
            scf.yield %min3A : vector<16xi32>
          }
          %while3A_233 = arith.constant 1 : i32
          %while3A_234 = scf.for %while3A_253 = %while3A_230 to %while3A_226 step %while3A_233 iter_args(%while3A_254 = %while3A_232) -> (vector<16xi32>)  : i32 {
            %mul3A_255 = arith.constant 16 : i32
            %mul3A_256 = arith.muli %while3A_253, %mul3A_255 : i32
            %get3A = arith.index_cast %mul3A_256 : i32 to index
            %get3A_257 = tpu.vector_load %arg18[%get3A] {strides = array<i32>} : memref<1024xf32, #tpu.memory_space<vmem>>, vector<16xf32>,
            %mul3A_258 = arith.constant 16 : i32
            %mul3A_259 = arith.muli %while3A_253, %mul3A_258 : i32
            %get3A_260 = arith.index_cast %mul3A_259 : i32 to index
            %get3A_261 = tpu.vector_load %arg19[%get3A_260] {strides = array<i32>} : memref<1024xi32, #tpu.memory_space<vmem>>, vector<16xi32>,
            %eq3A_262 = vector.broadcast %reduce_min3A_223 : f32 to vector<16xf32>
            %eq3A_263 = arith.cmpf oeq, %get3A_257, %eq3A_262 : vector<16xf32>
            %gt3A = vector.broadcast %scan3A_206 : f32 to vector<16xf32>
            %gt3A_264 = arith.cmpf ogt, %get3A_257, %gt3A : vector<16xf32>
            %gt3A_265 = vector.broadcast %scan3A_207 : i32 to vector<16xi32>
            %gt3A_266 = arith.cmpi sgt, %get3A_261, %gt3A_265 : vector<16xi32>
            %or3A = arith.ori %gt3A_264, %gt3A_266 : vector<16xi1>
            %and3A_267 = arith.andi %eq3A_263, %or3A : vector<16xi1>
            %select_n3A_268 = arith.select %and3A_267, %get3A_261, %broadcast_in_dim3A_70 : vector<16xi1>, vector<16xi32>
            %min3A = arith.minsi %while3A_254, %select_n3A_268 : vector<16xi32>
            scf.yield %min3A : vector<16xi32>
          }
          %reduce_min3A_235 = arith.constant true
          %reduce_min3A_236 = vector.broadcast %reduce_min3A_235 : i1 to vector<16xi1>
          %reduce_min3A_237 = arith.constant -2147483648 : i32
          %reduce_min3A_238 = vector.broadcast %reduce_min3A_237 : i32 to vector<16xi32>
          %reduce_min3A_239 = arith.xori %while3A_234, %reduce_min3A_238 : vector<16xi32>
          %reduce_min3A_240 = tpu.scan <min>, %reduce_min3A_239 masked %reduce_min3A_236 : vector<16xi32>, vector<16xi1> -> vector<16xi32>
          %reduce_min3A_241 = arith.xori %reduce_min3A_240, %reduce_min3A_238 : vector<16xi32>
          %reduce_min3A_242 = vector.extract %reduce_min3A_241[15] : i32 from vector<16xi32>
          %eq3A_243 = vector.broadcast %scan3A_205 : i32 to vector<16xi32>
          %eq3A_244 = arith.cmpi eq, %iota3A, %eq3A_243 : vector<16xi32>
          %broadcast_in_dim3A_245 = vector.broadcast %reduce_min3A_242 : i32 to vector<16xi32>
          %select_n3A_246 = arith.select %eq3A_244, %broadcast_in_dim3A_245, %scan3A_208 : vector<16xi1>, vector<16xi32>
          %sub3A_247 = arith.constant 16 : i32
          %sub3A_248 = arith.subi %scan3A_205, %sub3A_247 : i32
          %eq3A_249 = vector.broadcast %sub3A_248 : i32 to vector<16xi32>
          %eq3A_250 = arith.cmpi eq, %iota3A, %eq3A_249 : vector<16xi32>
          %broadcast_in_dim3A_251 = vector.broadcast %reduce_min3A_242 : i32 to vector<16xi32>
          %select_n3A_252 = arith.select %eq3A_250, %broadcast_in_dim3A_251, %scan3A_209 : vector<16xi1>, vector<16xi32>
          scf.yield %reduce_min3A_223, %reduce_min3A_242, %select_n3A_246, %select_n3A_252 : f32, i32, vector<16xi32>, vector<16xi32>
        }
        %scan3A_204 = arith.constant 32 : i32
        scf.yield %scan3A_203#2, %scan3A_203#3 : vector<16xi32>, vector<16xi32>
      } else {
        %broadcast_in_dim3A_195 = arith.constant 0 : i32
        %broadcast_in_dim3A_196 = vector.broadcast %broadcast_in_dim3A_195 : i32 to vector<16xi32>
        %scan3A_197 = arith.constant 1024 : i32
        %scan3A_198 = arith.constant 0xFF800000 : f32
        %scan3A_199 = arith.constant -1 : i32
        %scan3A_200 = arith.constant 0 : i32
        %scan3A_201 = arith.constant 32 : i32
        %scan3A_202 = arith.addi %scan3A_200, %scan3A_201 : i32
        %scan3A_203 = arith.constant 1 : i32
        %scan3A_204:4 = scf.for %scan3A_206 = %scan3A_200 to %scan3A_202 step %scan3A_203 iter_args(%scan3A_207 = %scan3A_198, %scan3A_208 = %scan3A_199, %scan3A_209 = %broadcast_in_dim3A_196, %scan3A_210 = %broadcast_in_dim3A_196) -> (f32, i32, vector<16xi32>, vector<16xi32>)  : i32 {
          %while3A_211 = arith.constant 0 : i32
          %while3A_212 = arith.subi %scan3A_197, %while3A_211 : i32
          %while3A_213 = arith.addi %while3A_211, %while3A_212 : i32
          %while3A_214 = arith.constant 1 : i32
          %while3A_215 = arith.divsi %while3A_212, %while3A_214 : i32
          %while3A_216 = arith.muli %while3A_215, %while3A_214 : i32
          %while3A_217 = arith.addi %while3A_211, %while3A_216 : i32
          %while3A_218 = arith.constant 1 : i32
          %while3A_219 = scf.for %while3A_254 = %while3A_211 to %while3A_217 step %while3A_218 iter_args(%while3A_255 = %broadcast_in_dim3A_68) -> (vector<16xf32>)  : i32 {
            %shift_right_arithmetic3A = arith.constant 3 : i32
            %shift_right_arithmetic3A_256 = arith.shrsi %while3A_254, %shift_right_arithmetic3A : i32
            %and3A_257 = arith.constant 7 : i32
            %and3A_258 = arith.andi %while3A_254, %and3A_257 : i32
            %mul3A_259 = arith.constant 16 : i32
            %mul3A_260 = arith.muli %and3A_258, %mul3A_259 : i32
            %get3A = arith.index_cast %shift_right_arithmetic3A_256 : i32 to index
            %get3A_261 = arith.index_cast %mul3A_260 : i32 to index
            %get3A_262 = tpu.vector_load %arg17[%get3A, %get3A_261] {strides = array<i32>} : memref<128x128xf32, #tpu.memory_space<vmem>>, vector<16xf32>,
            %mul3A_263 = arith.constant 16 : i32
            %mul3A_264 = arith.muli %while3A_254, %mul3A_263 : i32
            %add3A_265 = vector.broadcast %mul3A_264 : i32 to vector<16xi32>
            %add3A_266 = arith.addi %add3A_265, %iota3A : vector<16xi32>
            %gt3A = vector.broadcast %scan3A_207 : f32 to vector<16xf32>
            %gt3A_267 = arith.cmpf ogt, %get3A_262, %gt3A : vector<16xf32>
            %eq3A_268 = vector.broadcast %scan3A_207 : f32 to vector<16xf32>
            %eq3A_269 = arith.cmpf oeq, %get3A_262, %eq3A_268 : vector<16xf32>
            %gt3A_270 = vector.broadcast %scan3A_208 : i32 to vector<16xi32>
            %gt3A_271 = arith.cmpi sgt, %add3A_266, %gt3A_270 : vector<16xi32>
            %and3A_272 = arith.andi %eq3A_269, %gt3A_271 : vector<16xi1>
            %or3A = arith.ori %gt3A_267, %and3A_272 : vector<16xi1>
            %select_n3A_273 = arith.select %or3A, %get3A_262, %broadcast_in_dim3A_68 : vector<16xi1>, vector<16xf32>
            %min3A = arith.minimumf %while3A_255, %select_n3A_273 : vector<16xf32>
            scf.yield %min3A : vector<16xf32>
          }
          %while3A_220 = arith.constant 1 : i32
          %while3A_221 = scf.for %while3A_254 = %while3A_217 to %while3A_213 step %while3A_220 iter_args(%while3A_255 = %while3A_219) -> (vector<16xf32>)  : i32 {
            %shift_right_arithmetic3A = arith.constant 3 : i32
            %shift_right_arithmetic3A_256 = arith.shrsi %while3A_254, %shift_right_arithmetic3A : i32
            %and3A_257 = arith.constant 7 : i32
            %and3A_258 = arith.andi %while3A_254, %and3A_257 : i32
            %mul3A_259 = arith.constant 16 : i32
            %mul3A_260 = arith.muli %and3A_258, %mul3A_259 : i32
            %get3A = arith.index_cast %shift_right_arithmetic3A_256 : i32 to index
            %get3A_261 = arith.index_cast %mul3A_260 : i32 to index
            %get3A_262 = tpu.vector_load %arg17[%get3A, %get3A_261] {strides = array<i32>} : memref<128x128xf32, #tpu.memory_space<vmem>>, vector<16xf32>,
            %mul3A_263 = arith.constant 16 : i32
            %mul3A_264 = arith.muli %while3A_254, %mul3A_263 : i32
            %add3A_265 = vector.broadcast %mul3A_264 : i32 to vector<16xi32>
            %add3A_266 = arith.addi %add3A_265, %iota3A : vector<16xi32>
            %gt3A = vector.broadcast %scan3A_207 : f32 to vector<16xf32>
            %gt3A_267 = arith.cmpf ogt, %get3A_262, %gt3A : vector<16xf32>
            %eq3A_268 = vector.broadcast %scan3A_207 : f32 to vector<16xf32>
            %eq3A_269 = arith.cmpf oeq, %get3A_262, %eq3A_268 : vector<16xf32>
            %gt3A_270 = vector.broadcast %scan3A_208 : i32 to vector<16xi32>
            %gt3A_271 = arith.cmpi sgt, %add3A_266, %gt3A_270 : vector<16xi32>
            %and3A_272 = arith.andi %eq3A_269, %gt3A_271 : vector<16xi1>
            %or3A = arith.ori %gt3A_267, %and3A_272 : vector<16xi1>
            %select_n3A_273 = arith.select %or3A, %get3A_262, %broadcast_in_dim3A_68 : vector<16xi1>, vector<16xf32>
            %min3A = arith.minimumf %while3A_255, %select_n3A_273 : vector<16xf32>
            scf.yield %min3A : vector<16xf32>
          }
          %reduce_min3A = arith.constant true
          %reduce_min3A_222 = vector.broadcast %reduce_min3A : i1 to vector<16xi1>
          %reduce_min3A_223 = tpu.scan <min>, %while3A_221 masked %reduce_min3A_222 : vector<16xf32>, vector<16xi1> -> vector<16xf32>
          %reduce_min3A_224 = vector.extract %reduce_min3A_223[15] : f32 from vector<16xf32>
          %while3A_225 = arith.constant 0 : i32
          %while3A_226 = arith.subi %scan3A_197, %while3A_225 : i32
          %while3A_227 = arith.addi %while3A_225, %while3A_226 : i32
          %while3A_228 = arith.constant 1 : i32
          %while3A_229 = arith.divsi %while3A_226, %while3A_228 : i32
          %while3A_230 = arith.muli %while3A_229, %while3A_228 : i32
          %while3A_231 = arith.addi %while3A_225, %while3A_230 : i32
          %while3A_232 = arith.constant 1 : i32
          %while3A_233 = scf.for %while3A_254 = %while3A_225 to %while3A_231 step %while3A_232 iter_args(%while3A_255 = %broadcast_in_dim3A_70) -> (vector<16xi32>)  : i32 {
            %shift_right_arithmetic3A = arith.constant 3 : i32
            %shift_right_arithmetic3A_256 = arith.shrsi %while3A_254, %shift_right_arithmetic3A : i32
            %and3A_257 = arith.constant 7 : i32
            %and3A_258 = arith.andi %while3A_254, %and3A_257 : i32
            %mul3A_259 = arith.constant 16 : i32
            %mul3A_260 = arith.muli %and3A_258, %mul3A_259 : i32
            %get3A = arith.index_cast %shift_right_arithmetic3A_256 : i32 to index
            %get3A_261 = arith.index_cast %mul3A_260 : i32 to index
            %get3A_262 = tpu.vector_load %arg17[%get3A, %get3A_261] {strides = array<i32>} : memref<128x128xf32, #tpu.memory_space<vmem>>, vector<16xf32>,
            %mul3A_263 = arith.constant 16 : i32
            %mul3A_264 = arith.muli %while3A_254, %mul3A_263 : i32
            %add3A_265 = vector.broadcast %mul3A_264 : i32 to vector<16xi32>
            %add3A_266 = arith.addi %add3A_265, %iota3A : vector<16xi32>
            %eq3A_267 = vector.broadcast %reduce_min3A_224 : f32 to vector<16xf32>
            %eq3A_268 = arith.cmpf oeq, %get3A_262, %eq3A_267 : vector<16xf32>
            %gt3A = vector.broadcast %scan3A_207 : f32 to vector<16xf32>
            %gt3A_269 = arith.cmpf ogt, %get3A_262, %gt3A : vector<16xf32>
            %gt3A_270 = vector.broadcast %scan3A_208 : i32 to vector<16xi32>
            %gt3A_271 = arith.cmpi sgt, %add3A_266, %gt3A_270 : vector<16xi32>
            %or3A = arith.ori %gt3A_269, %gt3A_271 : vector<16xi1>
            %and3A_272 = arith.andi %eq3A_268, %or3A : vector<16xi1>
            %select_n3A_273 = arith.select %and3A_272, %add3A_266, %broadcast_in_dim3A_70 : vector<16xi1>, vector<16xi32>
            %min3A = arith.minsi %while3A_255, %select_n3A_273 : vector<16xi32>
            scf.yield %min3A : vector<16xi32>
          }
          %while3A_234 = arith.constant 1 : i32
          %while3A_235 = scf.for %while3A_254 = %while3A_231 to %while3A_227 step %while3A_234 iter_args(%while3A_255 = %while3A_233) -> (vector<16xi32>)  : i32 {
            %shift_right_arithmetic3A = arith.constant 3 : i32
            %shift_right_arithmetic3A_256 = arith.shrsi %while3A_254, %shift_right_arithmetic3A : i32
            %and3A_257 = arith.constant 7 : i32
            %and3A_258 = arith.andi %while3A_254, %and3A_257 : i32
            %mul3A_259 = arith.constant 16 : i32
            %mul3A_260 = arith.muli %and3A_258, %mul3A_259 : i32
            %get3A = arith.index_cast %shift_right_arithmetic3A_256 : i32 to index
            %get3A_261 = arith.index_cast %mul3A_260 : i32 to index
            %get3A_262 = tpu.vector_load %arg17[%get3A, %get3A_261] {strides = array<i32>} : memref<128x128xf32, #tpu.memory_space<vmem>>, vector<16xf32>,
            %mul3A_263 = arith.constant 16 : i32
            %mul3A_264 = arith.muli %while3A_254, %mul3A_263 : i32
            %add3A_265 = vector.broadcast %mul3A_264 : i32 to vector<16xi32>
            %add3A_266 = arith.addi %add3A_265, %iota3A : vector<16xi32>
            %eq3A_267 = vector.broadcast %reduce_min3A_224 : f32 to vector<16xf32>
            %eq3A_268 = arith.cmpf oeq, %get3A_262, %eq3A_267 : vector<16xf32>
            %gt3A = vector.broadcast %scan3A_207 : f32 to vector<16xf32>
            %gt3A_269 = arith.cmpf ogt, %get3A_262, %gt3A : vector<16xf32>
            %gt3A_270 = vector.broadcast %scan3A_208 : i32 to vector<16xi32>
            %gt3A_271 = arith.cmpi sgt, %add3A_266, %gt3A_270 : vector<16xi32>
            %or3A = arith.ori %gt3A_269, %gt3A_271 : vector<16xi1>
            %and3A_272 = arith.andi %eq3A_268, %or3A : vector<16xi1>
            %select_n3A_273 = arith.select %and3A_272, %add3A_266, %broadcast_in_dim3A_70 : vector<16xi1>, vector<16xi32>
            %min3A = arith.minsi %while3A_255, %select_n3A_273 : vector<16xi32>
            scf.yield %min3A : vector<16xi32>
          }
          %reduce_min3A_236 = arith.constant true
          %reduce_min3A_237 = vector.broadcast %reduce_min3A_236 : i1 to vector<16xi1>
          %reduce_min3A_238 = arith.constant -2147483648 : i32
          %reduce_min3A_239 = vector.broadcast %reduce_min3A_238 : i32 to vector<16xi32>
          %reduce_min3A_240 = arith.xori %while3A_235, %reduce_min3A_239 : vector<16xi32>
          %reduce_min3A_241 = tpu.scan <min>, %reduce_min3A_240 masked %reduce_min3A_237 : vector<16xi32>, vector<16xi1> -> vector<16xi32>
          %reduce_min3A_242 = arith.xori %reduce_min3A_241, %reduce_min3A_239 : vector<16xi32>
          %reduce_min3A_243 = vector.extract %reduce_min3A_242[15] : i32 from vector<16xi32>
          %eq3A_244 = vector.broadcast %scan3A_206 : i32 to vector<16xi32>
          %eq3A_245 = arith.cmpi eq, %iota3A, %eq3A_244 : vector<16xi32>
          %broadcast_in_dim3A_246 = vector.broadcast %reduce_min3A_243 : i32 to vector<16xi32>
          %select_n3A_247 = arith.select %eq3A_245, %broadcast_in_dim3A_246, %scan3A_209 : vector<16xi1>, vector<16xi32>
          %sub3A_248 = arith.constant 16 : i32
          %sub3A_249 = arith.subi %scan3A_206, %sub3A_248 : i32
          %eq3A_250 = vector.broadcast %sub3A_249 : i32 to vector<16xi32>
          %eq3A_251 = arith.cmpi eq, %iota3A, %eq3A_250 : vector<16xi32>
          %broadcast_in_dim3A_252 = vector.broadcast %reduce_min3A_243 : i32 to vector<16xi32>
          %select_n3A_253 = arith.select %eq3A_251, %broadcast_in_dim3A_252, %scan3A_210 : vector<16xi1>, vector<16xi32>
          scf.yield %reduce_min3A_224, %reduce_min3A_243, %select_n3A_247, %select_n3A_253 : f32, i32, vector<16xi32>, vector<16xi32>
        }
        %scan3A_205 = arith.constant 32 : i32
        scf.yield %scan3A_204#2, %scan3A_204#3 : vector<16xi32>, vector<16xi32>
      }
      %mul3A_148 = arith.constant 64 : i32
      %mul3A_149 = arith.muli %select_n3A_30, %mul3A_148 : i32
      %add3A_150 = arith.addi %mul3A_149, %scan3A_89 : i32
      %broadcast_in_dim3A_151 = vector.broadcast %add3A_150 : i32 to vector<16xi32>
      %gather3A_152 = tpu.vector_load_idx %arg11[%broadcast_in_dim3A_151] : memref<512xf32, #tpu.memory_space<vmem>>[vector<16xi32>], vector<16xf32>,
      %gather3A_153 = tpu.vector_load_idx %arg12[%broadcast_in_dim3A_151] : memref<512xf32, #tpu.memory_space<vmem>>[vector<16xi32>], vector<16xf32>,
      %gather3A_154 = tpu.vector_load_idx %arg13[%broadcast_in_dim3A_151] : memref<512xf32, #tpu.memory_space<vmem>>[vector<16xi32>], vector<16xf32>,
      %mul3A_155 = arith.constant 32 : i32
      %mul3A_156 = arith.muli %scan3A_89, %mul3A_155 : i32
      %gather3A_157 = tpu.vector_load_idx %arg8[%cond3A_147#0] : memref<16384xf32, #tpu.memory_space<vmem>>[vector<16xi32>], vector<16xf32>,
      %sub3A_158 = arith.subf %gather3A_157, %gather3A_152 : vector<16xf32>
      %swap3A_159 = arith.index_cast %mul3A_156 : i32 to index
      %swap3A_160 = tpu.vector_load %arg20[%swap3A_159] {strides = array<i32>} : memref<6144xf32, #tpu.memory_space<vmem>>, vector<16xf32>,
      tpu.vector_store %arg20[%swap3A_159], %sub3A_158 {strides = array<i32>} : memref<6144xf32, #tpu.memory_space<vmem>>, vector<16xf32>,
      %gather3A_161 = tpu.vector_load_idx %arg8[%cond3A_147#1] : memref<16384xf32, #tpu.memory_space<vmem>>[vector<16xi32>], vector<16xf32>,
      %sub3A_162 = arith.subf %gather3A_161, %gather3A_152 : vector<16xf32>
      %add3A_163 = arith.constant 16 : i32
      %add3A_164 = arith.addi %mul3A_156, %add3A_163 : i32
      %swap3A_165 = arith.index_cast %add3A_164 : i32 to index
      %swap3A_166 = tpu.vector_load %arg20[%swap3A_165] {strides = array<i32>} : memref<6144xf32, #tpu.memory_space<vmem>>, vector<16xf32>,
      tpu.vector_store %arg20[%swap3A_165], %sub3A_162 {strides = array<i32>} : memref<6144xf32, #tpu.memory_space<vmem>>, vector<16xf32>,
      %gather3A_167 = tpu.vector_load_idx %arg9[%cond3A_147#0] : memref<16384xf32, #tpu.memory_space<vmem>>[vector<16xi32>], vector<16xf32>,
      %sub3A_168 = arith.subf %gather3A_167, %gather3A_153 : vector<16xf32>
      %add3A_169 = arith.constant 2048 : i32
      %add3A_170 = arith.addi %add3A_169, %mul3A_156 : i32
      %swap3A_171 = arith.index_cast %add3A_170 : i32 to index
      %swap3A_172 = tpu.vector_load %arg20[%swap3A_171] {strides = array<i32>} : memref<6144xf32, #tpu.memory_space<vmem>>, vector<16xf32>,
      tpu.vector_store %arg20[%swap3A_171], %sub3A_168 {strides = array<i32>} : memref<6144xf32, #tpu.memory_space<vmem>>, vector<16xf32>,
      %gather3A_173 = tpu.vector_load_idx %arg9[%cond3A_147#1] : memref<16384xf32, #tpu.memory_space<vmem>>[vector<16xi32>], vector<16xf32>,
      %sub3A_174 = arith.subf %gather3A_173, %gather3A_153 : vector<16xf32>
      %add3A_175 = arith.constant 2048 : i32
      %add3A_176 = arith.addi %add3A_175, %mul3A_156 : i32
      %add3A_177 = arith.constant 16 : i32
      %add3A_178 = arith.addi %add3A_176, %add3A_177 : i32
      %swap3A_179 = arith.index_cast %add3A_178 : i32 to index
      %swap3A_180 = tpu.vector_load %arg20[%swap3A_179] {strides = array<i32>} : memref<6144xf32, #tpu.memory_space<vmem>>, vector<16xf32>,
      tpu.vector_store %arg20[%swap3A_179], %sub3A_174 {strides = array<i32>} : memref<6144xf32, #tpu.memory_space<vmem>>, vector<16xf32>,
      %gather3A_181 = tpu.vector_load_idx %arg10[%cond3A_147#0] : memref<16384xf32, #tpu.memory_space<vmem>>[vector<16xi32>], vector<16xf32>,
      %sub3A_182 = arith.subf %gather3A_181, %gather3A_154 : vector<16xf32>
      %add3A_183 = arith.constant 4096 : i32
      %add3A_184 = arith.addi %add3A_183, %mul3A_156 : i32
      %swap3A_185 = arith.index_cast %add3A_184 : i32 to index
      %swap3A_186 = tpu.vector_load %arg20[%swap3A_185] {strides = array<i32>} : memref<6144xf32, #tpu.memory_space<vmem>>, vector<16xf32>,
      tpu.vector_store %arg20[%swap3A_185], %sub3A_182 {strides = array<i32>} : memref<6144xf32, #tpu.memory_space<vmem>>, vector<16xf32>,
      %gather3A_187 = tpu.vector_load_idx %arg10[%cond3A_147#1] : memref<16384xf32, #tpu.memory_space<vmem>>[vector<16xi32>], vector<16xf32>,
      %sub3A_188 = arith.subf %gather3A_187, %gather3A_154 : vector<16xf32>
      %add3A_189 = arith.constant 4096 : i32
      %add3A_190 = arith.addi %add3A_189, %mul3A_156 : i32
      %add3A_191 = arith.constant 16 : i32
      %add3A_192 = arith.addi %add3A_190, %add3A_191 : i32
      %swap3A_193 = arith.index_cast %add3A_192 : i32 to index
      %swap3A_194 = tpu.vector_load %arg20[%swap3A_193] {strides = array<i32>} : memref<6144xf32, #tpu.memory_space<vmem>>, vector<16xf32>,
      tpu.vector_store %arg20[%swap3A_193], %sub3A_188 {strides = array<i32>} : memref<6144xf32, #tpu.memory_space<vmem>>, vector<16xf32>,
    }
    %scan3A_75 = arith.constant 64 : i32
    %mul3A_76 = arith.constant 512 : i32
    %mul3A_77 = arith.muli %select_n3A, %mul3A_76 : i32
    %mul3A_78 = arith.constant 32 : i32
    %mul3A_79 = arith.muli %mul3A_77, %mul3A_78 : i32
    %mul3A_80 = arith.constant 2048 : i32
    %mul3A_81 = arith.muli %select_n3A_30, %mul3A_80 : i32
    %add3A_82 = arith.addi %mul3A_79, %mul3A_81 : i32
    %add3A_83 = arith.constant 0 : i32
    %add3A_84 = arith.addi %add3A_83, %add3A_82 : i32
    "tpu.region"() ({
      %run_scoped3A = tpu.sem_alloc : memref<!tpu.dma_semaphore, #tpu.memory_space<semaphore_mem>>
      %dma_start3A = arith.constant 0 : i32
      %dma_start3A_89 = tpu.memref_slice %arg20[%dma_start3A] : memref<6144xf32, #tpu.memory_space<vmem>> -> memref<2048xf32, #tpu.memory_space<vmem>>
      %dma_start3A_90 = tpu.memref_slice %arg7[%add3A_84] : memref<196608xf32, #tpu.memory_space<hbm>> -> memref<2048xf32, #tpu.memory_space<hbm>>
      %dma_start3A_91 = tpu.memref_slice %arg7[%add3A_84] : memref<196608xf32, #tpu.memory_space<hbm>> -> memref<2048xf32, #tpu.memory_space<hbm>>
      %dma_start3A_92 = arith.constant 0 : i32
      %dma_start3A_93 = tpu.memref_slice %arg20[%dma_start3A_92] : memref<6144xf32, #tpu.memory_space<vmem>> -> memref<2048xf32, #tpu.memory_space<vmem>>
      tpu.enqueue_dma source(%dma_start3A_93 : memref<2048xf32, #tpu.memory_space<vmem>>) target(%dma_start3A_91 : memref<2048xf32, #tpu.memory_space<hbm>>) target_semaphore(%run_scoped3A : memref<!tpu.dma_semaphore, #tpu.memory_space<semaphore_mem>>)
      %dma_wait3A = arith.constant 0 : i32
      %dma_wait3A_94 = tpu.memref_slice %arg20[%dma_wait3A] : memref<6144xf32, #tpu.memory_space<vmem>> -> memref<2048xf32, #tpu.memory_space<vmem>>
      %dma_wait3A_95 = tpu.memref_slice %arg7[%add3A_84] : memref<196608xf32, #tpu.memory_space<hbm>> -> memref<2048xf32, #tpu.memory_space<hbm>>
      %dma_wait3A_96 = tpu.memref_slice %arg7[%add3A_84] : memref<196608xf32, #tpu.memory_space<hbm>> -> memref<2048xf32, #tpu.memory_space<hbm>>
      %dma_wait3A_97 = arith.constant 0 : i32
      %dma_wait3A_98 = tpu.memref_slice %arg20[%dma_wait3A_97] : memref<6144xf32, #tpu.memory_space<vmem>> -> memref<2048xf32, #tpu.memory_space<vmem>>
      tpu.wait_dma2 semaphore(%run_scoped3A : memref<!tpu.dma_semaphore, #tpu.memory_space<semaphore_mem>>) src(%dma_wait3A_98 : memref<2048xf32, #tpu.memory_space<vmem>>) dst(%dma_wait3A_96 : memref<2048xf32, #tpu.memory_space<hbm>>)
      tpu.yield
    }) : () -> ()
    %add3A_85 = arith.constant 65536 : i32
    %add3A_86 = arith.addi %add3A_85, %add3A_82 : i32
    "tpu.region"() ({
      %run_scoped3A = tpu.sem_alloc : memref<!tpu.dma_semaphore, #tpu.memory_space<semaphore_mem>>
      %dma_start3A = arith.constant 2048 : i32
      %dma_start3A_89 = tpu.memref_slice %arg20[%dma_start3A] : memref<6144xf32, #tpu.memory_space<vmem>> -> memref<2048xf32, #tpu.memory_space<vmem>>
      %dma_start3A_90 = tpu.memref_slice %arg7[%add3A_86] : memref<196608xf32, #tpu.memory_space<hbm>> -> memref<2048xf32, #tpu.memory_space<hbm>>
      %dma_start3A_91 = tpu.memref_slice %arg7[%add3A_86] : memref<196608xf32, #tpu.memory_space<hbm>> -> memref<2048xf32, #tpu.memory_space<hbm>>
      %dma_start3A_92 = arith.constant 2048 : i32
      %dma_start3A_93 = tpu.memref_slice %arg20[%dma_start3A_92] : memref<6144xf32, #tpu.memory_space<vmem>> -> memref<2048xf32, #tpu.memory_space<vmem>>
      tpu.enqueue_dma source(%dma_start3A_93 : memref<2048xf32, #tpu.memory_space<vmem>>) target(%dma_start3A_91 : memref<2048xf32, #tpu.memory_space<hbm>>) target_semaphore(%run_scoped3A : memref<!tpu.dma_semaphore, #tpu.memory_space<semaphore_mem>>)
      %dma_wait3A = arith.constant 2048 : i32
      %dma_wait3A_94 = tpu.memref_slice %arg20[%dma_wait3A] : memref<6144xf32, #tpu.memory_space<vmem>> -> memref<2048xf32, #tpu.memory_space<vmem>>
      %dma_wait3A_95 = tpu.memref_slice %arg7[%add3A_86] : memref<196608xf32, #tpu.memory_space<hbm>> -> memref<2048xf32, #tpu.memory_space<hbm>>
      %dma_wait3A_96 = tpu.memref_slice %arg7[%add3A_86] : memref<196608xf32, #tpu.memory_space<hbm>> -> memref<2048xf32, #tpu.memory_space<hbm>>
      %dma_wait3A_97 = arith.constant 2048 : i32
      %dma_wait3A_98 = tpu.memref_slice %arg20[%dma_wait3A_97] : memref<6144xf32, #tpu.memory_space<vmem>> -> memref<2048xf32, #tpu.memory_space<vmem>>
      tpu.wait_dma2 semaphore(%run_scoped3A : memref<!tpu.dma_semaphore, #tpu.memory_space<semaphore_mem>>) src(%dma_wait3A_98 : memref<2048xf32, #tpu.memory_space<vmem>>) dst(%dma_wait3A_96 : memref<2048xf32, #tpu.memory_space<hbm>>)
      tpu.yield
    }) : () -> ()
    %add3A_87 = arith.constant 131072 : i32
    %add3A_88 = arith.addi %add3A_87, %add3A_82 : i32
    "tpu.region"() ({
      %run_scoped3A = tpu.sem_alloc : memref<!tpu.dma_semaphore, #tpu.memory_space<semaphore_mem>>
      %dma_start3A = arith.constant 4096 : i32
      %dma_start3A_89 = tpu.memref_slice %arg20[%dma_start3A] : memref<6144xf32, #tpu.memory_space<vmem>> -> memref<2048xf32, #tpu.memory_space<vmem>>
      %dma_start3A_90 = tpu.memref_slice %arg7[%add3A_88] : memref<196608xf32, #tpu.memory_space<hbm>> -> memref<2048xf32, #tpu.memory_space<hbm>>
      %dma_start3A_91 = tpu.memref_slice %arg7[%add3A_88] : memref<196608xf32, #tpu.memory_space<hbm>> -> memref<2048xf32, #tpu.memory_space<hbm>>
      %dma_start3A_92 = arith.constant 4096 : i32
      %dma_start3A_93 = tpu.memref_slice %arg20[%dma_start3A_92] : memref<6144xf32, #tpu.memory_space<vmem>> -> memref<2048xf32, #tpu.memory_space<vmem>>
      tpu.enqueue_dma source(%dma_start3A_93 : memref<2048xf32, #tpu.memory_space<vmem>>) target(%dma_start3A_91 : memref<2048xf32, #tpu.memory_space<hbm>>) target_semaphore(%run_scoped3A : memref<!tpu.dma_semaphore, #tpu.memory_space<semaphore_mem>>)
      %dma_wait3A = arith.constant 4096 : i32
      %dma_wait3A_94 = tpu.memref_slice %arg20[%dma_wait3A] : memref<6144xf32, #tpu.memory_space<vmem>> -> memref<2048xf32, #tpu.memory_space<vmem>>
      %dma_wait3A_95 = tpu.memref_slice %arg7[%add3A_88] : memref<196608xf32, #tpu.memory_space<hbm>> -> memref<2048xf32, #tpu.memory_space<hbm>>
      %dma_wait3A_96 = tpu.memref_slice %arg7[%add3A_88] : memref<196608xf32, #tpu.memory_space<hbm>> -> memref<2048xf32, #tpu.memory_space<hbm>>
      %dma_wait3A_97 = arith.constant 4096 : i32
      %dma_wait3A_98 = tpu.memref_slice %arg20[%dma_wait3A_97] : memref<6144xf32, #tpu.memory_space<vmem>> -> memref<2048xf32, #tpu.memory_space<vmem>>
      tpu.wait_dma2 semaphore(%run_scoped3A : memref<!tpu.dma_semaphore, #tpu.memory_space<semaphore_mem>>) src(%dma_wait3A_98 : memref<2048xf32, #tpu.memory_space<vmem>>) dst(%dma_wait3A_96 : memref<2048xf32, #tpu.memory_space<hbm>>)
      tpu.yield
    }) : () -> ()
    return
  }
}

module attributes {stable_mosaic.version = 14 : i64} {
  func.func @_fps_body(%arg0: i32, %arg1: memref<196608xf32, #tpu.memory_space<smem>>, %arg2: memref<4x3x128x128xf32, #tpu.memory_space<vmem>>, %arg3: memref<4x3x512xf32, #tpu.memory_space<smem>>) attributes {dimension_semantics = [#tpu.dimension_semantics<arbitrary>], iteration_bounds = array<i64: 1>, scalar_prefetch = 0 : i64, scratch_operands = 0 : i64, tpu.core_type = #tpu.core_type<tc>, window_params = [{transform_indices = @transform_0, window_bounds = array<i64: 196608>}, {pipeline_mode = #tpu.pipeline_mode<synchronous>, transform_indices = @transform_1, window_bounds = array<i64: 4, 3, 128, 128>}, {transform_indices = @transform_2, window_bounds = array<i64: 4, 3, 512>}]} {
    %iota3A = tpu.iota {dimensions = array<i32: 0>} : vector<128x128xi32>
    %mul3A = arith.constant 128 : i32
    %mul3A_0 = vector.broadcast %mul3A : i32 to vector<128x128xi32>
    %mul3A_1 = arith.muli %iota3A, %mul3A_0 : vector<128x128xi32>
    %iota3A_2 = tpu.iota {dimensions = array<i32: 1>} : vector<128x128xi32>
    %add3A = arith.addi %mul3A_1, %iota3A_2 : vector<128x128xi32>
    %broadcast_in_dim3A = arith.constant 0x7F800000 : f32
    %broadcast_in_dim3A_3 = vector.broadcast %broadcast_in_dim3A : f32 to vector<128x128xf32>
    %get3A = arith.constant 0 : index
    %get3A_4 = memref.load %arg1[%get3A] : memref<196608xf32, #tpu.memory_space<smem>>
    %get3A_5 = arith.constant 16384 : index
    %get3A_6 = memref.load %arg1[%get3A_5] : memref<196608xf32, #tpu.memory_space<smem>>
    %get3A_7 = arith.constant 32768 : index
    %get3A_8 = memref.load %arg1[%get3A_7] : memref<196608xf32, #tpu.memory_space<smem>>
    %get3A_9 = arith.constant 49152 : index
    %get3A_10 = memref.load %arg1[%get3A_9] : memref<196608xf32, #tpu.memory_space<smem>>
    %get3A_11 = arith.constant 65536 : index
    %get3A_12 = memref.load %arg1[%get3A_11] : memref<196608xf32, #tpu.memory_space<smem>>
    %get3A_13 = arith.constant 81920 : index
    %get3A_14 = memref.load %arg1[%get3A_13] : memref<196608xf32, #tpu.memory_space<smem>>
    %get3A_15 = arith.constant 98304 : index
    %get3A_16 = memref.load %arg1[%get3A_15] : memref<196608xf32, #tpu.memory_space<smem>>
    %get3A_17 = arith.constant 114688 : index
    %get3A_18 = memref.load %arg1[%get3A_17] : memref<196608xf32, #tpu.memory_space<smem>>
    %get3A_19 = arith.constant 131072 : index
    %get3A_20 = memref.load %arg1[%get3A_19] : memref<196608xf32, #tpu.memory_space<smem>>
    %get3A_21 = arith.constant 147456 : index
    %get3A_22 = memref.load %arg1[%get3A_21] : memref<196608xf32, #tpu.memory_space<smem>>
    %get3A_23 = arith.constant 163840 : index
    %get3A_24 = memref.load %arg1[%get3A_23] : memref<196608xf32, #tpu.memory_space<smem>>
    %get3A_25 = arith.constant 180224 : index
    %get3A_26 = memref.load %arg1[%get3A_25] : memref<196608xf32, #tpu.memory_space<smem>>
    %scan3A = arith.constant 0 : i32
    %scan3A_27 = arith.constant 512 : i32
    %scan3A_28 = arith.addi %scan3A, %scan3A_27 : i32
    %scan3A_29 = arith.constant 1 : i32
    %scan3A_30:16 = scf.for %scan3A_32 = %scan3A to %scan3A_28 step %scan3A_29 iter_args(%scan3A_33 = %get3A_4, %scan3A_34 = %get3A_6, %scan3A_35 = %get3A_8, %scan3A_36 = %broadcast_in_dim3A_3, %scan3A_37 = %get3A_10, %scan3A_38 = %get3A_12, %scan3A_39 = %get3A_14, %scan3A_40 = %broadcast_in_dim3A_3, %scan3A_41 = %get3A_16, %scan3A_42 = %get3A_18, %scan3A_43 = %get3A_20, %scan3A_44 = %broadcast_in_dim3A_3, %scan3A_45 = %get3A_22, %scan3A_46 = %get3A_24, %scan3A_47 = %get3A_26, %scan3A_48 = %broadcast_in_dim3A_3) -> (f32, f32, f32, vector<128x128xf32>, f32, f32, f32, vector<128x128xf32>, f32, f32, f32, vector<128x128xf32>, f32, f32, f32, vector<128x128xf32>)  : i32 {
      %swap3A = arith.constant 0 : index
      %swap3A_49 = arith.constant 0 : index
      %swap3A_50 = arith.index_cast %scan3A_32 : i32 to index
      %swap3A_51 = memref.load %arg3[%swap3A, %swap3A_49, %swap3A_50] : memref<4x3x512xf32, #tpu.memory_space<smem>>
      memref.store %scan3A_33, %arg3[%swap3A, %swap3A_49, %swap3A_50] : memref<4x3x512xf32, #tpu.memory_space<smem>>
      %swap3A_52 = arith.constant 0 : index
      %swap3A_53 = arith.constant 1 : index
      %swap3A_54 = arith.index_cast %scan3A_32 : i32 to index
      %swap3A_55 = memref.load %arg3[%swap3A_52, %swap3A_53, %swap3A_54] : memref<4x3x512xf32, #tpu.memory_space<smem>>
      memref.store %scan3A_34, %arg3[%swap3A_52, %swap3A_53, %swap3A_54] : memref<4x3x512xf32, #tpu.memory_space<smem>>
      %swap3A_56 = arith.constant 0 : index
      %swap3A_57 = arith.constant 2 : index
      %swap3A_58 = arith.index_cast %scan3A_32 : i32 to index
      %swap3A_59 = memref.load %arg3[%swap3A_56, %swap3A_57, %swap3A_58] : memref<4x3x512xf32, #tpu.memory_space<smem>>
      memref.store %scan3A_35, %arg3[%swap3A_56, %swap3A_57, %swap3A_58] : memref<4x3x512xf32, #tpu.memory_space<smem>>
      %get3A_60 = arith.constant 0 : index
      %get3A_61 = arith.constant 0 : index
      %get3A_62 = arith.constant 0 : index
      %get3A_63 = arith.constant 0 : index
      %get3A_64 = vector.load %arg2[%get3A_60, %get3A_61, %get3A_62, %get3A_63] : memref<4x3x128x128xf32, #tpu.memory_space<vmem>>, vector<1x1x128x128xf32>
      %get3A_65 = vector.shape_cast %get3A_64 : vector<1x1x128x128xf32> to vector<128x128xf32>
      %sub3A = vector.broadcast %scan3A_33 : f32 to vector<128x128xf32>
      %sub3A_66 = arith.subf %get3A_65, %sub3A : vector<128x128xf32>
      %get3A_67 = arith.constant 0 : index
      %get3A_68 = arith.constant 1 : index
      %get3A_69 = arith.constant 0 : index
      %get3A_70 = arith.constant 0 : index
      %get3A_71 = vector.load %arg2[%get3A_67, %get3A_68, %get3A_69, %get3A_70] : memref<4x3x128x128xf32, #tpu.memory_space<vmem>>, vector<1x1x128x128xf32>
      %get3A_72 = vector.shape_cast %get3A_71 : vector<1x1x128x128xf32> to vector<128x128xf32>
      %sub3A_73 = vector.broadcast %scan3A_34 : f32 to vector<128x128xf32>
      %sub3A_74 = arith.subf %get3A_72, %sub3A_73 : vector<128x128xf32>
      %get3A_75 = arith.constant 0 : index
      %get3A_76 = arith.constant 2 : index
      %get3A_77 = arith.constant 0 : index
      %get3A_78 = arith.constant 0 : index
      %get3A_79 = vector.load %arg2[%get3A_75, %get3A_76, %get3A_77, %get3A_78] : memref<4x3x128x128xf32, #tpu.memory_space<vmem>>, vector<1x1x128x128xf32>
      %get3A_80 = vector.shape_cast %get3A_79 : vector<1x1x128x128xf32> to vector<128x128xf32>
      %sub3A_81 = vector.broadcast %scan3A_35 : f32 to vector<128x128xf32>
      %sub3A_82 = arith.subf %get3A_80, %sub3A_81 : vector<128x128xf32>
      %mul3A_83 = arith.mulf %sub3A_66, %sub3A_66 : vector<128x128xf32>
      %mul3A_84 = arith.mulf %sub3A_74, %sub3A_74 : vector<128x128xf32>
      %add3A_85 = arith.addf %mul3A_83, %mul3A_84 : vector<128x128xf32>
      %mul3A_86 = arith.mulf %sub3A_82, %sub3A_82 : vector<128x128xf32>
      %add3A_87 = arith.addf %add3A_85, %mul3A_86 : vector<128x128xf32>
      %min3A = arith.minimumf %scan3A_36, %add3A_87 : vector<128x128xf32>
      %reduce_max3A = vector.shape_cast %min3A : vector<128x128xf32> to vector<1x128x128xf32>
      %reduce_max3A_88 = arith.constant dense<0xFF800000> : vector<1xf32>
      %reduce_max3A_89 = vector.multi_reduction <maximumf>, %reduce_max3A, %reduce_max3A_88 [1, 2] : vector<1x128x128xf32> to vector<1xf32>
      %reduce_max3A_90 = vector.shape_cast %reduce_max3A_89 : vector<1xf32> to vector<1x1x1xf32>
      %reduce_max3A_91 = vector.extract %reduce_max3A_90[0, 0, 0] : f32 from vector<1x1x1xf32>
      %eq3A = vector.broadcast %reduce_max3A_91 : f32 to vector<128x128xf32>
      %eq3A_92 = arith.cmpf oeq, %min3A, %eq3A : vector<128x128xf32>
      %jit3A = arith.constant 1073741824 : i32
      %broadcast_in_dim3A_93 = vector.broadcast %jit3A : i32 to vector<128x128xi32>
      %select_n3A = arith.select %eq3A_92, %add3A, %broadcast_in_dim3A_93 : vector<128x128xi1>, vector<128x128xi32>
      %reduce_min3A = vector.shape_cast %select_n3A : vector<128x128xi32> to vector<1x128x128xi32>
      %reduce_min3A_94 = arith.constant dense<2147483647> : vector<1xi32>
      %reduce_min3A_95 = vector.multi_reduction <minsi>, %reduce_min3A, %reduce_min3A_94 [1, 2] : vector<1x128x128xi32> to vector<1xi32>
      %reduce_min3A_96 = vector.shape_cast %reduce_min3A_95 : vector<1xi32> to vector<1x1x1xi32>
      %reduce_min3A_97 = vector.extract %reduce_min3A_96[0, 0, 0] : i32 from vector<1x1x1xi32>
      %add3A_98 = arith.constant 0 : i32
      %add3A_99 = arith.addi %add3A_98, %reduce_min3A_97 : i32
      %get3A_100 = arith.index_cast %add3A_99 : i32 to index
      %get3A_101 = memref.load %arg1[%get3A_100] : memref<196608xf32, #tpu.memory_space<smem>>
      %add3A_102 = arith.constant 16384 : i32
      %add3A_103 = arith.addi %add3A_102, %reduce_min3A_97 : i32
      %get3A_104 = arith.index_cast %add3A_103 : i32 to index
      %get3A_105 = memref.load %arg1[%get3A_104] : memref<196608xf32, #tpu.memory_space<smem>>
      %add3A_106 = arith.constant 32768 : i32
      %add3A_107 = arith.addi %add3A_106, %reduce_min3A_97 : i32
      %get3A_108 = arith.index_cast %add3A_107 : i32 to index
      %get3A_109 = memref.load %arg1[%get3A_108] : memref<196608xf32, #tpu.memory_space<smem>>
      %swap3A_110 = arith.constant 1 : index
      %swap3A_111 = arith.constant 0 : index
      %swap3A_112 = arith.index_cast %scan3A_32 : i32 to index
      %swap3A_113 = memref.load %arg3[%swap3A_110, %swap3A_111, %swap3A_112] : memref<4x3x512xf32, #tpu.memory_space<smem>>
      memref.store %scan3A_37, %arg3[%swap3A_110, %swap3A_111, %swap3A_112] : memref<4x3x512xf32, #tpu.memory_space<smem>>
      %swap3A_114 = arith.constant 1 : index
      %swap3A_115 = arith.constant 1 : index
      %swap3A_116 = arith.index_cast %scan3A_32 : i32 to index
      %swap3A_117 = memref.load %arg3[%swap3A_114, %swap3A_115, %swap3A_116] : memref<4x3x512xf32, #tpu.memory_space<smem>>
      memref.store %scan3A_38, %arg3[%swap3A_114, %swap3A_115, %swap3A_116] : memref<4x3x512xf32, #tpu.memory_space<smem>>
      %swap3A_118 = arith.constant 1 : index
      %swap3A_119 = arith.constant 2 : index
      %swap3A_120 = arith.index_cast %scan3A_32 : i32 to index
      %swap3A_121 = memref.load %arg3[%swap3A_118, %swap3A_119, %swap3A_120] : memref<4x3x512xf32, #tpu.memory_space<smem>>
      memref.store %scan3A_39, %arg3[%swap3A_118, %swap3A_119, %swap3A_120] : memref<4x3x512xf32, #tpu.memory_space<smem>>
      %get3A_122 = arith.constant 1 : index
      %get3A_123 = arith.constant 0 : index
      %get3A_124 = arith.constant 0 : index
      %get3A_125 = arith.constant 0 : index
      %get3A_126 = vector.load %arg2[%get3A_122, %get3A_123, %get3A_124, %get3A_125] : memref<4x3x128x128xf32, #tpu.memory_space<vmem>>, vector<1x1x128x128xf32>
      %get3A_127 = vector.shape_cast %get3A_126 : vector<1x1x128x128xf32> to vector<128x128xf32>
      %sub3A_128 = vector.broadcast %scan3A_37 : f32 to vector<128x128xf32>
      %sub3A_129 = arith.subf %get3A_127, %sub3A_128 : vector<128x128xf32>
      %get3A_130 = arith.constant 1 : index
      %get3A_131 = arith.constant 1 : index
      %get3A_132 = arith.constant 0 : index
      %get3A_133 = arith.constant 0 : index
      %get3A_134 = vector.load %arg2[%get3A_130, %get3A_131, %get3A_132, %get3A_133] : memref<4x3x128x128xf32, #tpu.memory_space<vmem>>, vector<1x1x128x128xf32>
      %get3A_135 = vector.shape_cast %get3A_134 : vector<1x1x128x128xf32> to vector<128x128xf32>
      %sub3A_136 = vector.broadcast %scan3A_38 : f32 to vector<128x128xf32>
      %sub3A_137 = arith.subf %get3A_135, %sub3A_136 : vector<128x128xf32>
      %get3A_138 = arith.constant 1 : index
      %get3A_139 = arith.constant 2 : index
      %get3A_140 = arith.constant 0 : index
      %get3A_141 = arith.constant 0 : index
      %get3A_142 = vector.load %arg2[%get3A_138, %get3A_139, %get3A_140, %get3A_141] : memref<4x3x128x128xf32, #tpu.memory_space<vmem>>, vector<1x1x128x128xf32>
      %get3A_143 = vector.shape_cast %get3A_142 : vector<1x1x128x128xf32> to vector<128x128xf32>
      %sub3A_144 = vector.broadcast %scan3A_39 : f32 to vector<128x128xf32>
      %sub3A_145 = arith.subf %get3A_143, %sub3A_144 : vector<128x128xf32>
      %mul3A_146 = arith.mulf %sub3A_129, %sub3A_129 : vector<128x128xf32>
      %mul3A_147 = arith.mulf %sub3A_137, %sub3A_137 : vector<128x128xf32>
      %add3A_148 = arith.addf %mul3A_146, %mul3A_147 : vector<128x128xf32>
      %mul3A_149 = arith.mulf %sub3A_145, %sub3A_145 : vector<128x128xf32>
      %add3A_150 = arith.addf %add3A_148, %mul3A_149 : vector<128x128xf32>
      %min3A_151 = arith.minimumf %scan3A_40, %add3A_150 : vector<128x128xf32>
      %reduce_max3A_152 = vector.shape_cast %min3A_151 : vector<128x128xf32> to vector<1x128x128xf32>
      %reduce_max3A_153 = arith.constant dense<0xFF800000> : vector<1xf32>
      %reduce_max3A_154 = vector.multi_reduction <maximumf>, %reduce_max3A_152, %reduce_max3A_153 [1, 2] : vector<1x128x128xf32> to vector<1xf32>
      %reduce_max3A_155 = vector.shape_cast %reduce_max3A_154 : vector<1xf32> to vector<1x1x1xf32>
      %reduce_max3A_156 = vector.extract %reduce_max3A_155[0, 0, 0] : f32 from vector<1x1x1xf32>
      %eq3A_157 = vector.broadcast %reduce_max3A_156 : f32 to vector<128x128xf32>
      %eq3A_158 = arith.cmpf oeq, %min3A_151, %eq3A_157 : vector<128x128xf32>
      %jit3A_159 = arith.constant 1073741824 : i32
      %broadcast_in_dim3A_160 = vector.broadcast %jit3A_159 : i32 to vector<128x128xi32>
      %select_n3A_161 = arith.select %eq3A_158, %add3A, %broadcast_in_dim3A_160 : vector<128x128xi1>, vector<128x128xi32>
      %reduce_min3A_162 = vector.shape_cast %select_n3A_161 : vector<128x128xi32> to vector<1x128x128xi32>
      %reduce_min3A_163 = arith.constant dense<2147483647> : vector<1xi32>
      %reduce_min3A_164 = vector.multi_reduction <minsi>, %reduce_min3A_162, %reduce_min3A_163 [1, 2] : vector<1x128x128xi32> to vector<1xi32>
      %reduce_min3A_165 = vector.shape_cast %reduce_min3A_164 : vector<1xi32> to vector<1x1x1xi32>
      %reduce_min3A_166 = vector.extract %reduce_min3A_165[0, 0, 0] : i32 from vector<1x1x1xi32>
      %add3A_167 = arith.constant 49152 : i32
      %add3A_168 = arith.addi %add3A_167, %reduce_min3A_166 : i32
      %get3A_169 = arith.index_cast %add3A_168 : i32 to index
      %get3A_170 = memref.load %arg1[%get3A_169] : memref<196608xf32, #tpu.memory_space<smem>>
      %add3A_171 = arith.constant 65536 : i32
      %add3A_172 = arith.addi %add3A_171, %reduce_min3A_166 : i32
      %get3A_173 = arith.index_cast %add3A_172 : i32 to index
      %get3A_174 = memref.load %arg1[%get3A_173] : memref<196608xf32, #tpu.memory_space<smem>>
      %add3A_175 = arith.constant 81920 : i32
      %add3A_176 = arith.addi %add3A_175, %reduce_min3A_166 : i32
      %get3A_177 = arith.index_cast %add3A_176 : i32 to index
      %get3A_178 = memref.load %arg1[%get3A_177] : memref<196608xf32, #tpu.memory_space<smem>>
      %swap3A_179 = arith.constant 2 : index
      %swap3A_180 = arith.constant 0 : index
      %swap3A_181 = arith.index_cast %scan3A_32 : i32 to index
      %swap3A_182 = memref.load %arg3[%swap3A_179, %swap3A_180, %swap3A_181] : memref<4x3x512xf32, #tpu.memory_space<smem>>
      memref.store %scan3A_41, %arg3[%swap3A_179, %swap3A_180, %swap3A_181] : memref<4x3x512xf32, #tpu.memory_space<smem>>
      %swap3A_183 = arith.constant 2 : index
      %swap3A_184 = arith.constant 1 : index
      %swap3A_185 = arith.index_cast %scan3A_32 : i32 to index
      %swap3A_186 = memref.load %arg3[%swap3A_183, %swap3A_184, %swap3A_185] : memref<4x3x512xf32, #tpu.memory_space<smem>>
      memref.store %scan3A_42, %arg3[%swap3A_183, %swap3A_184, %swap3A_185] : memref<4x3x512xf32, #tpu.memory_space<smem>>
      %swap3A_187 = arith.constant 2 : index
      %swap3A_188 = arith.constant 2 : index
      %swap3A_189 = arith.index_cast %scan3A_32 : i32 to index
      %swap3A_190 = memref.load %arg3[%swap3A_187, %swap3A_188, %swap3A_189] : memref<4x3x512xf32, #tpu.memory_space<smem>>
      memref.store %scan3A_43, %arg3[%swap3A_187, %swap3A_188, %swap3A_189] : memref<4x3x512xf32, #tpu.memory_space<smem>>
      %get3A_191 = arith.constant 2 : index
      %get3A_192 = arith.constant 0 : index
      %get3A_193 = arith.constant 0 : index
      %get3A_194 = arith.constant 0 : index
      %get3A_195 = vector.load %arg2[%get3A_191, %get3A_192, %get3A_193, %get3A_194] : memref<4x3x128x128xf32, #tpu.memory_space<vmem>>, vector<1x1x128x128xf32>
      %get3A_196 = vector.shape_cast %get3A_195 : vector<1x1x128x128xf32> to vector<128x128xf32>
      %sub3A_197 = vector.broadcast %scan3A_41 : f32 to vector<128x128xf32>
      %sub3A_198 = arith.subf %get3A_196, %sub3A_197 : vector<128x128xf32>
      %get3A_199 = arith.constant 2 : index
      %get3A_200 = arith.constant 1 : index
      %get3A_201 = arith.constant 0 : index
      %get3A_202 = arith.constant 0 : index
      %get3A_203 = vector.load %arg2[%get3A_199, %get3A_200, %get3A_201, %get3A_202] : memref<4x3x128x128xf32, #tpu.memory_space<vmem>>, vector<1x1x128x128xf32>
      %get3A_204 = vector.shape_cast %get3A_203 : vector<1x1x128x128xf32> to vector<128x128xf32>
      %sub3A_205 = vector.broadcast %scan3A_42 : f32 to vector<128x128xf32>
      %sub3A_206 = arith.subf %get3A_204, %sub3A_205 : vector<128x128xf32>
      %get3A_207 = arith.constant 2 : index
      %get3A_208 = arith.constant 2 : index
      %get3A_209 = arith.constant 0 : index
      %get3A_210 = arith.constant 0 : index
      %get3A_211 = vector.load %arg2[%get3A_207, %get3A_208, %get3A_209, %get3A_210] : memref<4x3x128x128xf32, #tpu.memory_space<vmem>>, vector<1x1x128x128xf32>
      %get3A_212 = vector.shape_cast %get3A_211 : vector<1x1x128x128xf32> to vector<128x128xf32>
      %sub3A_213 = vector.broadcast %scan3A_43 : f32 to vector<128x128xf32>
      %sub3A_214 = arith.subf %get3A_212, %sub3A_213 : vector<128x128xf32>
      %mul3A_215 = arith.mulf %sub3A_198, %sub3A_198 : vector<128x128xf32>
      %mul3A_216 = arith.mulf %sub3A_206, %sub3A_206 : vector<128x128xf32>
      %add3A_217 = arith.addf %mul3A_215, %mul3A_216 : vector<128x128xf32>
      %mul3A_218 = arith.mulf %sub3A_214, %sub3A_214 : vector<128x128xf32>
      %add3A_219 = arith.addf %add3A_217, %mul3A_218 : vector<128x128xf32>
      %min3A_220 = arith.minimumf %scan3A_44, %add3A_219 : vector<128x128xf32>
      %reduce_max3A_221 = vector.shape_cast %min3A_220 : vector<128x128xf32> to vector<1x128x128xf32>
      %reduce_max3A_222 = arith.constant dense<0xFF800000> : vector<1xf32>
      %reduce_max3A_223 = vector.multi_reduction <maximumf>, %reduce_max3A_221, %reduce_max3A_222 [1, 2] : vector<1x128x128xf32> to vector<1xf32>
      %reduce_max3A_224 = vector.shape_cast %reduce_max3A_223 : vector<1xf32> to vector<1x1x1xf32>
      %reduce_max3A_225 = vector.extract %reduce_max3A_224[0, 0, 0] : f32 from vector<1x1x1xf32>
      %eq3A_226 = vector.broadcast %reduce_max3A_225 : f32 to vector<128x128xf32>
      %eq3A_227 = arith.cmpf oeq, %min3A_220, %eq3A_226 : vector<128x128xf32>
      %jit3A_228 = arith.constant 1073741824 : i32
      %broadcast_in_dim3A_229 = vector.broadcast %jit3A_228 : i32 to vector<128x128xi32>
      %select_n3A_230 = arith.select %eq3A_227, %add3A, %broadcast_in_dim3A_229 : vector<128x128xi1>, vector<128x128xi32>
      %reduce_min3A_231 = vector.shape_cast %select_n3A_230 : vector<128x128xi32> to vector<1x128x128xi32>
      %reduce_min3A_232 = arith.constant dense<2147483647> : vector<1xi32>
      %reduce_min3A_233 = vector.multi_reduction <minsi>, %reduce_min3A_231, %reduce_min3A_232 [1, 2] : vector<1x128x128xi32> to vector<1xi32>
      %reduce_min3A_234 = vector.shape_cast %reduce_min3A_233 : vector<1xi32> to vector<1x1x1xi32>
      %reduce_min3A_235 = vector.extract %reduce_min3A_234[0, 0, 0] : i32 from vector<1x1x1xi32>
      %add3A_236 = arith.constant 98304 : i32
      %add3A_237 = arith.addi %add3A_236, %reduce_min3A_235 : i32
      %get3A_238 = arith.index_cast %add3A_237 : i32 to index
      %get3A_239 = memref.load %arg1[%get3A_238] : memref<196608xf32, #tpu.memory_space<smem>>
      %add3A_240 = arith.constant 114688 : i32
      %add3A_241 = arith.addi %add3A_240, %reduce_min3A_235 : i32
      %get3A_242 = arith.index_cast %add3A_241 : i32 to index
      %get3A_243 = memref.load %arg1[%get3A_242] : memref<196608xf32, #tpu.memory_space<smem>>
      %add3A_244 = arith.constant 131072 : i32
      %add3A_245 = arith.addi %add3A_244, %reduce_min3A_235 : i32
      %get3A_246 = arith.index_cast %add3A_245 : i32 to index
      %get3A_247 = memref.load %arg1[%get3A_246] : memref<196608xf32, #tpu.memory_space<smem>>
      %swap3A_248 = arith.constant 3 : index
      %swap3A_249 = arith.constant 0 : index
      %swap3A_250 = arith.index_cast %scan3A_32 : i32 to index
      %swap3A_251 = memref.load %arg3[%swap3A_248, %swap3A_249, %swap3A_250] : memref<4x3x512xf32, #tpu.memory_space<smem>>
      memref.store %scan3A_45, %arg3[%swap3A_248, %swap3A_249, %swap3A_250] : memref<4x3x512xf32, #tpu.memory_space<smem>>
      %swap3A_252 = arith.constant 3 : index
      %swap3A_253 = arith.constant 1 : index
      %swap3A_254 = arith.index_cast %scan3A_32 : i32 to index
      %swap3A_255 = memref.load %arg3[%swap3A_252, %swap3A_253, %swap3A_254] : memref<4x3x512xf32, #tpu.memory_space<smem>>
      memref.store %scan3A_46, %arg3[%swap3A_252, %swap3A_253, %swap3A_254] : memref<4x3x512xf32, #tpu.memory_space<smem>>
      %swap3A_256 = arith.constant 3 : index
      %swap3A_257 = arith.constant 2 : index
      %swap3A_258 = arith.index_cast %scan3A_32 : i32 to index
      %swap3A_259 = memref.load %arg3[%swap3A_256, %swap3A_257, %swap3A_258] : memref<4x3x512xf32, #tpu.memory_space<smem>>
      memref.store %scan3A_47, %arg3[%swap3A_256, %swap3A_257, %swap3A_258] : memref<4x3x512xf32, #tpu.memory_space<smem>>
      %get3A_260 = arith.constant 3 : index
      %get3A_261 = arith.constant 0 : index
      %get3A_262 = arith.constant 0 : index
      %get3A_263 = arith.constant 0 : index
      %get3A_264 = vector.load %arg2[%get3A_260, %get3A_261, %get3A_262, %get3A_263] : memref<4x3x128x128xf32, #tpu.memory_space<vmem>>, vector<1x1x128x128xf32>
      %get3A_265 = vector.shape_cast %get3A_264 : vector<1x1x128x128xf32> to vector<128x128xf32>
      %sub3A_266 = vector.broadcast %scan3A_45 : f32 to vector<128x128xf32>
      %sub3A_267 = arith.subf %get3A_265, %sub3A_266 : vector<128x128xf32>
      %get3A_268 = arith.constant 3 : index
      %get3A_269 = arith.constant 1 : index
      %get3A_270 = arith.constant 0 : index
      %get3A_271 = arith.constant 0 : index
      %get3A_272 = vector.load %arg2[%get3A_268, %get3A_269, %get3A_270, %get3A_271] : memref<4x3x128x128xf32, #tpu.memory_space<vmem>>, vector<1x1x128x128xf32>
      %get3A_273 = vector.shape_cast %get3A_272 : vector<1x1x128x128xf32> to vector<128x128xf32>
      %sub3A_274 = vector.broadcast %scan3A_46 : f32 to vector<128x128xf32>
      %sub3A_275 = arith.subf %get3A_273, %sub3A_274 : vector<128x128xf32>
      %get3A_276 = arith.constant 3 : index
      %get3A_277 = arith.constant 2 : index
      %get3A_278 = arith.constant 0 : index
      %get3A_279 = arith.constant 0 : index
      %get3A_280 = vector.load %arg2[%get3A_276, %get3A_277, %get3A_278, %get3A_279] : memref<4x3x128x128xf32, #tpu.memory_space<vmem>>, vector<1x1x128x128xf32>
      %get3A_281 = vector.shape_cast %get3A_280 : vector<1x1x128x128xf32> to vector<128x128xf32>
      %sub3A_282 = vector.broadcast %scan3A_47 : f32 to vector<128x128xf32>
      %sub3A_283 = arith.subf %get3A_281, %sub3A_282 : vector<128x128xf32>
      %mul3A_284 = arith.mulf %sub3A_267, %sub3A_267 : vector<128x128xf32>
      %mul3A_285 = arith.mulf %sub3A_275, %sub3A_275 : vector<128x128xf32>
      %add3A_286 = arith.addf %mul3A_284, %mul3A_285 : vector<128x128xf32>
      %mul3A_287 = arith.mulf %sub3A_283, %sub3A_283 : vector<128x128xf32>
      %add3A_288 = arith.addf %add3A_286, %mul3A_287 : vector<128x128xf32>
      %min3A_289 = arith.minimumf %scan3A_48, %add3A_288 : vector<128x128xf32>
      %reduce_max3A_290 = vector.shape_cast %min3A_289 : vector<128x128xf32> to vector<1x128x128xf32>
      %reduce_max3A_291 = arith.constant dense<0xFF800000> : vector<1xf32>
      %reduce_max3A_292 = vector.multi_reduction <maximumf>, %reduce_max3A_290, %reduce_max3A_291 [1, 2] : vector<1x128x128xf32> to vector<1xf32>
      %reduce_max3A_293 = vector.shape_cast %reduce_max3A_292 : vector<1xf32> to vector<1x1x1xf32>
      %reduce_max3A_294 = vector.extract %reduce_max3A_293[0, 0, 0] : f32 from vector<1x1x1xf32>
      %eq3A_295 = vector.broadcast %reduce_max3A_294 : f32 to vector<128x128xf32>
      %eq3A_296 = arith.cmpf oeq, %min3A_289, %eq3A_295 : vector<128x128xf32>
      %jit3A_297 = arith.constant 1073741824 : i32
      %broadcast_in_dim3A_298 = vector.broadcast %jit3A_297 : i32 to vector<128x128xi32>
      %select_n3A_299 = arith.select %eq3A_296, %add3A, %broadcast_in_dim3A_298 : vector<128x128xi1>, vector<128x128xi32>
      %reduce_min3A_300 = vector.shape_cast %select_n3A_299 : vector<128x128xi32> to vector<1x128x128xi32>
      %reduce_min3A_301 = arith.constant dense<2147483647> : vector<1xi32>
      %reduce_min3A_302 = vector.multi_reduction <minsi>, %reduce_min3A_300, %reduce_min3A_301 [1, 2] : vector<1x128x128xi32> to vector<1xi32>
      %reduce_min3A_303 = vector.shape_cast %reduce_min3A_302 : vector<1xi32> to vector<1x1x1xi32>
      %reduce_min3A_304 = vector.extract %reduce_min3A_303[0, 0, 0] : i32 from vector<1x1x1xi32>
      %add3A_305 = arith.constant 147456 : i32
      %add3A_306 = arith.addi %add3A_305, %reduce_min3A_304 : i32
      %get3A_307 = arith.index_cast %add3A_306 : i32 to index
      %get3A_308 = memref.load %arg1[%get3A_307] : memref<196608xf32, #tpu.memory_space<smem>>
      %add3A_309 = arith.constant 163840 : i32
      %add3A_310 = arith.addi %add3A_309, %reduce_min3A_304 : i32
      %get3A_311 = arith.index_cast %add3A_310 : i32 to index
      %get3A_312 = memref.load %arg1[%get3A_311] : memref<196608xf32, #tpu.memory_space<smem>>
      %add3A_313 = arith.constant 180224 : i32
      %add3A_314 = arith.addi %add3A_313, %reduce_min3A_304 : i32
      %get3A_315 = arith.index_cast %add3A_314 : i32 to index
      %get3A_316 = memref.load %arg1[%get3A_315] : memref<196608xf32, #tpu.memory_space<smem>>
      scf.yield %get3A_101, %get3A_105, %get3A_109, %min3A, %get3A_170, %get3A_174, %get3A_178, %min3A_151, %get3A_239, %get3A_243, %get3A_247, %min3A_220, %get3A_308, %get3A_312, %get3A_316, %min3A_289 : f32, f32, f32, vector<128x128xf32>, f32, f32, f32, vector<128x128xf32>, f32, f32, f32, vector<128x128xf32>, f32, f32, f32, vector<128x128xf32>
    }
    %scan3A_31 = arith.constant 512 : i32
    return
  }
  func.func @transform_0(%arg0: i32) -> i32 {
    %c0_i32 = arith.constant 0 : i32
    %c0_i32_0 = arith.constant 0 : i32
    return %c0_i32 : i32
  }
  func.func @transform_1(%arg0: i32) -> (i32, i32, i32, i32) {
    %c0_i32 = arith.constant 0 : i32
    %c0_i32_0 = arith.constant 0 : i32
    %c0_i32_1 = arith.constant 0 : i32
    %c0_i32_2 = arith.constant 0 : i32
    %c0_i32_3 = arith.constant 0 : i32
    return %c0_i32, %c0_i32_0, %c0_i32_1, %c0_i32_2 : i32, i32, i32, i32
  }
  func.func @transform_2(%arg0: i32) -> (i32, i32, i32) {
    %c0_i32 = arith.constant 0 : i32
    %c0_i32_0 = arith.constant 0 : i32
    %c0_i32_1 = arith.constant 0 : i32
    %c0_i32_2 = arith.constant 0 : i32
    return %c0_i32, %c0_i32_0, %c0_i32_1 : i32, i32, i32
  }
}

module attributes {stable_mosaic.version = 14 : i64} {
  func.func @_d2_body(%arg0: i32, %arg1: i32, %arg2: memref<1x8x3xf32, #tpu.memory_space<smem>>, %arg3: memref<1x3x128x128xf32, #tpu.memory_space<vmem>>, %arg4: memref<8x128x128xf32, #tpu.memory_space<vmem>>, %arg5: memref<1x1x8xf32, #tpu.memory_space<smem>>, %arg6: memref<8x1x128xf32, #tpu.memory_space<vmem>>) attributes {dimension_semantics = [#tpu.dimension_semantics<parallel>, #tpu.dimension_semantics<parallel>], iteration_bounds = array<i64: 4, 64>, scalar_prefetch = 0 : i64, scratch_operands = 0 : i64, tpu.core_type = #tpu.core_type<tc>, window_params = [{transform_indices = @transform_0, window_bounds = array<i64: 1, 8, 3>}, {transform_indices = @transform_1, window_bounds = array<i64: 1, 3, 128, 128>}, {transform_indices = @transform_2, window_bounds = array<i64: 8, 128, 128>}, {transform_indices = @transform_3, window_bounds = array<i64: 1, 1, 8>}, {transform_indices = @transform_4, window_bounds = array<i64: 8, 1, 128>}]} {
    %get3A = arith.constant 0 : index
    %get3A_0 = arith.constant 0 : index
    %get3A_1 = arith.constant 0 : index
    %get3A_2 = arith.constant 0 : index
    %get3A_3 = vector.load %arg3[%get3A, %get3A_0, %get3A_1, %get3A_2] : memref<1x3x128x128xf32, #tpu.memory_space<vmem>>, vector<1x1x128x128xf32>
    %get3A_4 = vector.shape_cast %get3A_3 : vector<1x1x128x128xf32> to vector<128x128xf32>
    %get3A_5 = arith.constant 0 : index
    %get3A_6 = arith.constant 1 : index
    %get3A_7 = arith.constant 0 : index
    %get3A_8 = arith.constant 0 : index
    %get3A_9 = vector.load %arg3[%get3A_5, %get3A_6, %get3A_7, %get3A_8] : memref<1x3x128x128xf32, #tpu.memory_space<vmem>>, vector<1x1x128x128xf32>
    %get3A_10 = vector.shape_cast %get3A_9 : vector<1x1x128x128xf32> to vector<128x128xf32>
    %get3A_11 = arith.constant 0 : index
    %get3A_12 = arith.constant 2 : index
    %get3A_13 = arith.constant 0 : index
    %get3A_14 = arith.constant 0 : index
    %get3A_15 = vector.load %arg3[%get3A_11, %get3A_12, %get3A_13, %get3A_14] : memref<1x3x128x128xf32, #tpu.memory_space<vmem>>, vector<1x1x128x128xf32>
    %get3A_16 = vector.shape_cast %get3A_15 : vector<1x1x128x128xf32> to vector<128x128xf32>
    %iota3A = tpu.iota {dimensions = array<i32: 0>} : vector<128x128xi32>
    %iota3A_17 = tpu.iota {dimensions = array<i32: 1>} : vector<128x128xi32>
    %eq3A = arith.cmpi eq, %iota3A, %iota3A_17 : vector<128x128xi32>
    %convert_element_type3A = arith.extui %eq3A : vector<128x128xi1> to vector<128x128xi32>
    %convert_element_type3A_18 = arith.sitofp %convert_element_type3A : vector<128x128xi32> to vector<128x128xf32>
    %get3A_19 = arith.constant 0 : index
    %get3A_20 = arith.constant 0 : index
    %get3A_21 = arith.constant 0 : index
    %get3A_22 = memref.load %arg2[%get3A_19, %get3A_20, %get3A_21] : memref<1x8x3xf32, #tpu.memory_space<smem>>
    %get3A_23 = arith.constant 0 : index
    %get3A_24 = arith.constant 0 : index
    %get3A_25 = arith.constant 1 : index
    %get3A_26 = memref.load %arg2[%get3A_23, %get3A_24, %get3A_25] : memref<1x8x3xf32, #tpu.memory_space<smem>>
    %get3A_27 = arith.constant 0 : index
    %get3A_28 = arith.constant 0 : index
    %get3A_29 = arith.constant 2 : index
    %get3A_30 = memref.load %arg2[%get3A_27, %get3A_28, %get3A_29] : memref<1x8x3xf32, #tpu.memory_space<smem>>
    %sub3A = vector.broadcast %get3A_22 : f32 to vector<128x128xf32>
    %sub3A_31 = arith.subf %sub3A, %get3A_4 : vector<128x128xf32>
    %sub3A_32 = vector.broadcast %get3A_26 : f32 to vector<128x128xf32>
    %sub3A_33 = arith.subf %sub3A_32, %get3A_10 : vector<128x128xf32>
    %sub3A_34 = vector.broadcast %get3A_30 : f32 to vector<128x128xf32>
    %sub3A_35 = arith.subf %sub3A_34, %get3A_16 : vector<128x128xf32>
    %mul3A = arith.mulf %sub3A_31, %sub3A_31 : vector<128x128xf32>
    %mul3A_36 = arith.mulf %sub3A_33, %sub3A_33 : vector<128x128xf32>
    %add3A = arith.addf %mul3A, %mul3A_36 : vector<128x128xf32>
    %mul3A_37 = arith.mulf %sub3A_35, %sub3A_35 : vector<128x128xf32>
    %add3A_38 = arith.addf %add3A, %mul3A_37 : vector<128x128xf32>
    %swap3A = arith.constant 0 : index
    %swap3A_39 = arith.constant 0 : index
    %swap3A_40 = arith.constant 0 : index
    %swap3A_41 = vector.load %arg4[%swap3A, %swap3A_39, %swap3A_40] : memref<8x128x128xf32, #tpu.memory_space<vmem>>, vector<1x128x128xf32>
    %swap3A_42 = vector.shape_cast %swap3A_41 : vector<1x128x128xf32> to vector<128x128xf32>
    %swap3A_43 = vector.shape_cast %add3A_38 : vector<128x128xf32> to vector<1x128x128xf32>
    tpu.vector_store %arg4[%swap3A, %swap3A_39, %swap3A_40], %swap3A_43 {strides = array<i32>} : memref<8x128x128xf32, #tpu.memory_space<vmem>>, vector<1x128x128xf32>,
    %reduce_min3A = arith.constant dense<0x7F800000> : vector<128xf32>
    %reduce_min3A_44 = vector.multi_reduction <minimumf>, %add3A_38, %reduce_min3A [1] : vector<128x128xf32> to vector<128xf32>
    %broadcast_in_dim3A = vector.shape_cast %reduce_min3A_44 : vector<128xf32> to vector<128x1xf32>
    %dot_general3A = arith.constant dense<0.000000e+00> : vector<1x128xf32>
    %dot_general3A_45 = tpu.matmul %broadcast_in_dim3A, %convert_element_type3A_18, %dot_general3A {dimension_numbers = #tpu.dot_dimension_numbers<[0], [0], [1], [1], [0, 1, 1, 1], [], []>, precision = #tpu.contract_precision<fp32>, transpose_lhs_hint = false} : vector<128x1xf32>, vector<128x128xf32>, vector<1x128xf32> -> vector<1x128xf32>
    %lt3A = vector.broadcast %dot_general3A_45 : vector<1x128xf32> to vector<128x128xf32>
    %lt3A_46 = vector.broadcast %broadcast_in_dim3A : vector<128x1xf32> to vector<128x128xf32>
    %lt3A_47 = arith.cmpf olt, %lt3A, %lt3A_46 : vector<128x128xf32>
    %convert_element_type3A_48 = arith.extui %lt3A_47 : vector<128x128xi1> to vector<128x128xi32>
    %reduce_sum3A = arith.constant dense<0> : vector<128xi32>
    %reduce_sum3A_49 = vector.multi_reduction <add>, %convert_element_type3A_48, %reduce_sum3A [1] : vector<128x128xi32> to vector<128xi32>
    %broadcast_in_dim3A_50 = vector.shape_cast %reduce_sum3A_49 : vector<128xi32> to vector<128x1xi32>
    %lt3A_51 = arith.constant 32 : i32
    %lt3A_52 = vector.broadcast %lt3A_51 : i32 to vector<128x1xi32>
    %lt3A_53 = arith.cmpi slt, %broadcast_in_dim3A_50, %lt3A_52 : vector<128x1xi32>
    %jit3A = arith.constant 0xFF800000 : f32
    %broadcast_in_dim3A_54 = vector.broadcast %jit3A : f32 to vector<128x1xf32>
    %select_n3A = arith.select %lt3A_53, %broadcast_in_dim3A, %broadcast_in_dim3A_54 : vector<128x1xi1>, vector<128x1xf32>
    %reduce_max3A = vector.shape_cast %select_n3A : vector<128x1xf32> to vector<1x128x1xf32>
    %reduce_max3A_55 = arith.constant dense<0xFF800000> : vector<1xf32>
    %reduce_max3A_56 = vector.multi_reduction <maximumf>, %reduce_max3A, %reduce_max3A_55 [1, 2] : vector<1x128x1xf32> to vector<1xf32>
    %reduce_max3A_57 = vector.shape_cast %reduce_max3A_56 : vector<1xf32> to vector<1x1x1xf32>
    %reduce_max3A_58 = vector.extract %reduce_max3A_57[0, 0, 0] : f32 from vector<1x1x1xf32>
    %swap3A_59 = arith.constant 0 : index
    %swap3A_60 = arith.constant 0 : index
    %swap3A_61 = arith.constant 0 : index
    %swap3A_62 = memref.load %arg5[%swap3A_59, %swap3A_60, %swap3A_61] : memref<1x1x8xf32, #tpu.memory_space<smem>>
    memref.store %reduce_max3A_58, %arg5[%swap3A_59, %swap3A_60, %swap3A_61] : memref<1x1x8xf32, #tpu.memory_space<smem>>
    %swap3A_63 = arith.constant 0 : index
    %swap3A_64 = arith.constant 0 : index
    %swap3A_65 = arith.constant 0 : index
    %swap3A_66 = vector.load %arg6[%swap3A_63, %swap3A_64, %swap3A_65] : memref<8x1x128xf32, #tpu.memory_space<vmem>>, vector<1x1x128xf32>
    %swap3A_67 = vector.shape_cast %swap3A_66 : vector<1x1x128xf32> to vector<1x128xf32>
    %swap3A_68 = vector.shape_cast %dot_general3A_45 : vector<1x128xf32> to vector<1x1x128xf32>
    tpu.vector_store %arg6[%swap3A_63, %swap3A_64, %swap3A_65], %swap3A_68 {strides = array<i32>} : memref<8x1x128xf32, #tpu.memory_space<vmem>>, vector<1x1x128xf32>,
    %get3A_69 = arith.constant 0 : index
    %get3A_70 = arith.constant 1 : index
    %get3A_71 = arith.constant 0 : index
    %get3A_72 = memref.load %arg2[%get3A_69, %get3A_70, %get3A_71] : memref<1x8x3xf32, #tpu.memory_space<smem>>
    %get3A_73 = arith.constant 0 : index
    %get3A_74 = arith.constant 1 : index
    %get3A_75 = arith.constant 1 : index
    %get3A_76 = memref.load %arg2[%get3A_73, %get3A_74, %get3A_75] : memref<1x8x3xf32, #tpu.memory_space<smem>>
    %get3A_77 = arith.constant 0 : index
    %get3A_78 = arith.constant 1 : index
    %get3A_79 = arith.constant 2 : index
    %get3A_80 = memref.load %arg2[%get3A_77, %get3A_78, %get3A_79] : memref<1x8x3xf32, #tpu.memory_space<smem>>
    %sub3A_81 = vector.broadcast %get3A_72 : f32 to vector<128x128xf32>
    %sub3A_82 = arith.subf %sub3A_81, %get3A_4 : vector<128x128xf32>
    %sub3A_83 = vector.broadcast %get3A_76 : f32 to vector<128x128xf32>
    %sub3A_84 = arith.subf %sub3A_83, %get3A_10 : vector<128x128xf32>
    %sub3A_85 = vector.broadcast %get3A_80 : f32 to vector<128x128xf32>
    %sub3A_86 = arith.subf %sub3A_85, %get3A_16 : vector<128x128xf32>
    %mul3A_87 = arith.mulf %sub3A_82, %sub3A_82 : vector<128x128xf32>
    %mul3A_88 = arith.mulf %sub3A_84, %sub3A_84 : vector<128x128xf32>
    %add3A_89 = arith.addf %mul3A_87, %mul3A_88 : vector<128x128xf32>
    %mul3A_90 = arith.mulf %sub3A_86, %sub3A_86 : vector<128x128xf32>
    %add3A_91 = arith.addf %add3A_89, %mul3A_90 : vector<128x128xf32>
    %swap3A_92 = arith.constant 1 : index
    %swap3A_93 = arith.constant 0 : index
    %swap3A_94 = arith.constant 0 : index
    %swap3A_95 = vector.load %arg4[%swap3A_92, %swap3A_93, %swap3A_94] : memref<8x128x128xf32, #tpu.memory_space<vmem>>, vector<1x128x128xf32>
    %swap3A_96 = vector.shape_cast %swap3A_95 : vector<1x128x128xf32> to vector<128x128xf32>
    %swap3A_97 = vector.shape_cast %add3A_91 : vector<128x128xf32> to vector<1x128x128xf32>
    tpu.vector_store %arg4[%swap3A_92, %swap3A_93, %swap3A_94], %swap3A_97 {strides = array<i32>} : memref<8x128x128xf32, #tpu.memory_space<vmem>>, vector<1x128x128xf32>,
    %reduce_min3A_98 = arith.constant dense<0x7F800000> : vector<128xf32>
    %reduce_min3A_99 = vector.multi_reduction <minimumf>, %add3A_91, %reduce_min3A_98 [1] : vector<128x128xf32> to vector<128xf32>
    %broadcast_in_dim3A_100 = vector.shape_cast %reduce_min3A_99 : vector<128xf32> to vector<128x1xf32>
    %dot_general3A_101 = arith.constant dense<0.000000e+00> : vector<1x128xf32>
    %dot_general3A_102 = tpu.matmul %broadcast_in_dim3A_100, %convert_element_type3A_18, %dot_general3A_101 {dimension_numbers = #tpu.dot_dimension_numbers<[0], [0], [1], [1], [0, 1, 1, 1], [], []>, precision = #tpu.contract_precision<fp32>, transpose_lhs_hint = false} : vector<128x1xf32>, vector<128x128xf32>, vector<1x128xf32> -> vector<1x128xf32>
    %lt3A_103 = vector.broadcast %dot_general3A_102 : vector<1x128xf32> to vector<128x128xf32>
    %lt3A_104 = vector.broadcast %broadcast_in_dim3A_100 : vector<128x1xf32> to vector<128x128xf32>
    %lt3A_105 = arith.cmpf olt, %lt3A_103, %lt3A_104 : vector<128x128xf32>
    %convert_element_type3A_106 = arith.extui %lt3A_105 : vector<128x128xi1> to vector<128x128xi32>
    %reduce_sum3A_107 = arith.constant dense<0> : vector<128xi32>
    %reduce_sum3A_108 = vector.multi_reduction <add>, %convert_element_type3A_106, %reduce_sum3A_107 [1] : vector<128x128xi32> to vector<128xi32>
    %broadcast_in_dim3A_109 = vector.shape_cast %reduce_sum3A_108 : vector<128xi32> to vector<128x1xi32>
    %lt3A_110 = arith.constant 32 : i32
    %lt3A_111 = vector.broadcast %lt3A_110 : i32 to vector<128x1xi32>
    %lt3A_112 = arith.cmpi slt, %broadcast_in_dim3A_109, %lt3A_111 : vector<128x1xi32>
    %jit3A_113 = arith.constant 0xFF800000 : f32
    %broadcast_in_dim3A_114 = vector.broadcast %jit3A_113 : f32 to vector<128x1xf32>
    %select_n3A_115 = arith.select %lt3A_112, %broadcast_in_dim3A_100, %broadcast_in_dim3A_114 : vector<128x1xi1>, vector<128x1xf32>
    %reduce_max3A_116 = vector.shape_cast %select_n3A_115 : vector<128x1xf32> to vector<1x128x1xf32>
    %reduce_max3A_117 = arith.constant dense<0xFF800000> : vector<1xf32>
    %reduce_max3A_118 = vector.multi_reduction <maximumf>, %reduce_max3A_116, %reduce_max3A_117 [1, 2] : vector<1x128x1xf32> to vector<1xf32>
    %reduce_max3A_119 = vector.shape_cast %reduce_max3A_118 : vector<1xf32> to vector<1x1x1xf32>
    %reduce_max3A_120 = vector.extract %reduce_max3A_119[0, 0, 0] : f32 from vector<1x1x1xf32>
    %swap3A_121 = arith.constant 0 : index
    %swap3A_122 = arith.constant 0 : index
    %swap3A_123 = arith.constant 1 : index
    %swap3A_124 = memref.load %arg5[%swap3A_121, %swap3A_122, %swap3A_123] : memref<1x1x8xf32, #tpu.memory_space<smem>>
    memref.store %reduce_max3A_120, %arg5[%swap3A_121, %swap3A_122, %swap3A_123] : memref<1x1x8xf32, #tpu.memory_space<smem>>
    %swap3A_125 = arith.constant 1 : index
    %swap3A_126 = arith.constant 0 : index
    %swap3A_127 = arith.constant 0 : index
    %swap3A_128 = vector.load %arg6[%swap3A_125, %swap3A_126, %swap3A_127] : memref<8x1x128xf32, #tpu.memory_space<vmem>>, vector<1x1x128xf32>
    %swap3A_129 = vector.shape_cast %swap3A_128 : vector<1x1x128xf32> to vector<1x128xf32>
    %swap3A_130 = vector.shape_cast %dot_general3A_102 : vector<1x128xf32> to vector<1x1x128xf32>
    tpu.vector_store %arg6[%swap3A_125, %swap3A_126, %swap3A_127], %swap3A_130 {strides = array<i32>} : memref<8x1x128xf32, #tpu.memory_space<vmem>>, vector<1x1x128xf32>,
    %get3A_131 = arith.constant 0 : index
    %get3A_132 = arith.constant 2 : index
    %get3A_133 = arith.constant 0 : index
    %get3A_134 = memref.load %arg2[%get3A_131, %get3A_132, %get3A_133] : memref<1x8x3xf32, #tpu.memory_space<smem>>
    %get3A_135 = arith.constant 0 : index
    %get3A_136 = arith.constant 2 : index
    %get3A_137 = arith.constant 1 : index
    %get3A_138 = memref.load %arg2[%get3A_135, %get3A_136, %get3A_137] : memref<1x8x3xf32, #tpu.memory_space<smem>>
    %get3A_139 = arith.constant 0 : index
    %get3A_140 = arith.constant 2 : index
    %get3A_141 = arith.constant 2 : index
    %get3A_142 = memref.load %arg2[%get3A_139, %get3A_140, %get3A_141] : memref<1x8x3xf32, #tpu.memory_space<smem>>
    %sub3A_143 = vector.broadcast %get3A_134 : f32 to vector<128x128xf32>
    %sub3A_144 = arith.subf %sub3A_143, %get3A_4 : vector<128x128xf32>
    %sub3A_145 = vector.broadcast %get3A_138 : f32 to vector<128x128xf32>
    %sub3A_146 = arith.subf %sub3A_145, %get3A_10 : vector<128x128xf32>
    %sub3A_147 = vector.broadcast %get3A_142 : f32 to vector<128x128xf32>
    %sub3A_148 = arith.subf %sub3A_147, %get3A_16 : vector<128x128xf32>
    %mul3A_149 = arith.mulf %sub3A_144, %sub3A_144 : vector<128x128xf32>
    %mul3A_150 = arith.mulf %sub3A_146, %sub3A_146 : vector<128x128xf32>
    %add3A_151 = arith.addf %mul3A_149, %mul3A_150 : vector<128x128xf32>
    %mul3A_152 = arith.mulf %sub3A_148, %sub3A_148 : vector<128x128xf32>
    %add3A_153 = arith.addf %add3A_151, %mul3A_152 : vector<128x128xf32>
    %swap3A_154 = arith.constant 2 : index
    %swap3A_155 = arith.constant 0 : index
    %swap3A_156 = arith.constant 0 : index
    %swap3A_157 = vector.load %arg4[%swap3A_154, %swap3A_155, %swap3A_156] : memref<8x128x128xf32, #tpu.memory_space<vmem>>, vector<1x128x128xf32>
    %swap3A_158 = vector.shape_cast %swap3A_157 : vector<1x128x128xf32> to vector<128x128xf32>
    %swap3A_159 = vector.shape_cast %add3A_153 : vector<128x128xf32> to vector<1x128x128xf32>
    tpu.vector_store %arg4[%swap3A_154, %swap3A_155, %swap3A_156], %swap3A_159 {strides = array<i32>} : memref<8x128x128xf32, #tpu.memory_space<vmem>>, vector<1x128x128xf32>,
    %reduce_min3A_160 = arith.constant dense<0x7F800000> : vector<128xf32>
    %reduce_min3A_161 = vector.multi_reduction <minimumf>, %add3A_153, %reduce_min3A_160 [1] : vector<128x128xf32> to vector<128xf32>
    %broadcast_in_dim3A_162 = vector.shape_cast %reduce_min3A_161 : vector<128xf32> to vector<128x1xf32>
    %dot_general3A_163 = arith.constant dense<0.000000e+00> : vector<1x128xf32>
    %dot_general3A_164 = tpu.matmul %broadcast_in_dim3A_162, %convert_element_type3A_18, %dot_general3A_163 {dimension_numbers = #tpu.dot_dimension_numbers<[0], [0], [1], [1], [0, 1, 1, 1], [], []>, precision = #tpu.contract_precision<fp32>, transpose_lhs_hint = false} : vector<128x1xf32>, vector<128x128xf32>, vector<1x128xf32> -> vector<1x128xf32>
    %lt3A_165 = vector.broadcast %dot_general3A_164 : vector<1x128xf32> to vector<128x128xf32>
    %lt3A_166 = vector.broadcast %broadcast_in_dim3A_162 : vector<128x1xf32> to vector<128x128xf32>
    %lt3A_167 = arith.cmpf olt, %lt3A_165, %lt3A_166 : vector<128x128xf32>
    %convert_element_type3A_168 = arith.extui %lt3A_167 : vector<128x128xi1> to vector<128x128xi32>
    %reduce_sum3A_169 = arith.constant dense<0> : vector<128xi32>
    %reduce_sum3A_170 = vector.multi_reduction <add>, %convert_element_type3A_168, %reduce_sum3A_169 [1] : vector<128x128xi32> to vector<128xi32>
    %broadcast_in_dim3A_171 = vector.shape_cast %reduce_sum3A_170 : vector<128xi32> to vector<128x1xi32>
    %lt3A_172 = arith.constant 32 : i32
    %lt3A_173 = vector.broadcast %lt3A_172 : i32 to vector<128x1xi32>
    %lt3A_174 = arith.cmpi slt, %broadcast_in_dim3A_171, %lt3A_173 : vector<128x1xi32>
    %jit3A_175 = arith.constant 0xFF800000 : f32
    %broadcast_in_dim3A_176 = vector.broadcast %jit3A_175 : f32 to vector<128x1xf32>
    %select_n3A_177 = arith.select %lt3A_174, %broadcast_in_dim3A_162, %broadcast_in_dim3A_176 : vector<128x1xi1>, vector<128x1xf32>
    %reduce_max3A_178 = vector.shape_cast %select_n3A_177 : vector<128x1xf32> to vector<1x128x1xf32>
    %reduce_max3A_179 = arith.constant dense<0xFF800000> : vector<1xf32>
    %reduce_max3A_180 = vector.multi_reduction <maximumf>, %reduce_max3A_178, %reduce_max3A_179 [1, 2] : vector<1x128x1xf32> to vector<1xf32>
    %reduce_max3A_181 = vector.shape_cast %reduce_max3A_180 : vector<1xf32> to vector<1x1x1xf32>
    %reduce_max3A_182 = vector.extract %reduce_max3A_181[0, 0, 0] : f32 from vector<1x1x1xf32>
    %swap3A_183 = arith.constant 0 : index
    %swap3A_184 = arith.constant 0 : index
    %swap3A_185 = arith.constant 2 : index
    %swap3A_186 = memref.load %arg5[%swap3A_183, %swap3A_184, %swap3A_185] : memref<1x1x8xf32, #tpu.memory_space<smem>>
    memref.store %reduce_max3A_182, %arg5[%swap3A_183, %swap3A_184, %swap3A_185] : memref<1x1x8xf32, #tpu.memory_space<smem>>
    %swap3A_187 = arith.constant 2 : index
    %swap3A_188 = arith.constant 0 : index
    %swap3A_189 = arith.constant 0 : index
    %swap3A_190 = vector.load %arg6[%swap3A_187, %swap3A_188, %swap3A_189] : memref<8x1x128xf32, #tpu.memory_space<vmem>>, vector<1x1x128xf32>
    %swap3A_191 = vector.shape_cast %swap3A_190 : vector<1x1x128xf32> to vector<1x128xf32>
    %swap3A_192 = vector.shape_cast %dot_general3A_164 : vector<1x128xf32> to vector<1x1x128xf32>
    tpu.vector_store %arg6[%swap3A_187, %swap3A_188, %swap3A_189], %swap3A_192 {strides = array<i32>} : memref<8x1x128xf32, #tpu.memory_space<vmem>>, vector<1x1x128xf32>,
    %get3A_193 = arith.constant 0 : index
    %get3A_194 = arith.constant 3 : index
    %get3A_195 = arith.constant 0 : index
    %get3A_196 = memref.load %arg2[%get3A_193, %get3A_194, %get3A_195] : memref<1x8x3xf32, #tpu.memory_space<smem>>
    %get3A_197 = arith.constant 0 : index
    %get3A_198 = arith.constant 3 : index
    %get3A_199 = arith.constant 1 : index
    %get3A_200 = memref.load %arg2[%get3A_197, %get3A_198, %get3A_199] : memref<1x8x3xf32, #tpu.memory_space<smem>>
    %get3A_201 = arith.constant 0 : index
    %get3A_202 = arith.constant 3 : index
    %get3A_203 = arith.constant 2 : index
    %get3A_204 = memref.load %arg2[%get3A_201, %get3A_202, %get3A_203] : memref<1x8x3xf32, #tpu.memory_space<smem>>
    %sub3A_205 = vector.broadcast %get3A_196 : f32 to vector<128x128xf32>
    %sub3A_206 = arith.subf %sub3A_205, %get3A_4 : vector<128x128xf32>
    %sub3A_207 = vector.broadcast %get3A_200 : f32 to vector<128x128xf32>
    %sub3A_208 = arith.subf %sub3A_207, %get3A_10 : vector<128x128xf32>
    %sub3A_209 = vector.broadcast %get3A_204 : f32 to vector<128x128xf32>
    %sub3A_210 = arith.subf %sub3A_209, %get3A_16 : vector<128x128xf32>
    %mul3A_211 = arith.mulf %sub3A_206, %sub3A_206 : vector<128x128xf32>
    %mul3A_212 = arith.mulf %sub3A_208, %sub3A_208 : vector<128x128xf32>
    %add3A_213 = arith.addf %mul3A_211, %mul3A_212 : vector<128x128xf32>
    %mul3A_214 = arith.mulf %sub3A_210, %sub3A_210 : vector<128x128xf32>
    %add3A_215 = arith.addf %add3A_213, %mul3A_214 : vector<128x128xf32>
    %swap3A_216 = arith.constant 3 : index
    %swap3A_217 = arith.constant 0 : index
    %swap3A_218 = arith.constant 0 : index
    %swap3A_219 = vector.load %arg4[%swap3A_216, %swap3A_217, %swap3A_218] : memref<8x128x128xf32, #tpu.memory_space<vmem>>, vector<1x128x128xf32>
    %swap3A_220 = vector.shape_cast %swap3A_219 : vector<1x128x128xf32> to vector<128x128xf32>
    %swap3A_221 = vector.shape_cast %add3A_215 : vector<128x128xf32> to vector<1x128x128xf32>
    tpu.vector_store %arg4[%swap3A_216, %swap3A_217, %swap3A_218], %swap3A_221 {strides = array<i32>} : memref<8x128x128xf32, #tpu.memory_space<vmem>>, vector<1x128x128xf32>,
    %reduce_min3A_222 = arith.constant dense<0x7F800000> : vector<128xf32>
    %reduce_min3A_223 = vector.multi_reduction <minimumf>, %add3A_215, %reduce_min3A_222 [1] : vector<128x128xf32> to vector<128xf32>
    %broadcast_in_dim3A_224 = vector.shape_cast %reduce_min3A_223 : vector<128xf32> to vector<128x1xf32>
    %dot_general3A_225 = arith.constant dense<0.000000e+00> : vector<1x128xf32>
    %dot_general3A_226 = tpu.matmul %broadcast_in_dim3A_224, %convert_element_type3A_18, %dot_general3A_225 {dimension_numbers = #tpu.dot_dimension_numbers<[0], [0], [1], [1], [0, 1, 1, 1], [], []>, precision = #tpu.contract_precision<fp32>, transpose_lhs_hint = false} : vector<128x1xf32>, vector<128x128xf32>, vector<1x128xf32> -> vector<1x128xf32>
    %lt3A_227 = vector.broadcast %dot_general3A_226 : vector<1x128xf32> to vector<128x128xf32>
    %lt3A_228 = vector.broadcast %broadcast_in_dim3A_224 : vector<128x1xf32> to vector<128x128xf32>
    %lt3A_229 = arith.cmpf olt, %lt3A_227, %lt3A_228 : vector<128x128xf32>
    %convert_element_type3A_230 = arith.extui %lt3A_229 : vector<128x128xi1> to vector<128x128xi32>
    %reduce_sum3A_231 = arith.constant dense<0> : vector<128xi32>
    %reduce_sum3A_232 = vector.multi_reduction <add>, %convert_element_type3A_230, %reduce_sum3A_231 [1] : vector<128x128xi32> to vector<128xi32>
    %broadcast_in_dim3A_233 = vector.shape_cast %reduce_sum3A_232 : vector<128xi32> to vector<128x1xi32>
    %lt3A_234 = arith.constant 32 : i32
    %lt3A_235 = vector.broadcast %lt3A_234 : i32 to vector<128x1xi32>
    %lt3A_236 = arith.cmpi slt, %broadcast_in_dim3A_233, %lt3A_235 : vector<128x1xi32>
    %jit3A_237 = arith.constant 0xFF800000 : f32
    %broadcast_in_dim3A_238 = vector.broadcast %jit3A_237 : f32 to vector<128x1xf32>
    %select_n3A_239 = arith.select %lt3A_236, %broadcast_in_dim3A_224, %broadcast_in_dim3A_238 : vector<128x1xi1>, vector<128x1xf32>
    %reduce_max3A_240 = vector.shape_cast %select_n3A_239 : vector<128x1xf32> to vector<1x128x1xf32>
    %reduce_max3A_241 = arith.constant dense<0xFF800000> : vector<1xf32>
    %reduce_max3A_242 = vector.multi_reduction <maximumf>, %reduce_max3A_240, %reduce_max3A_241 [1, 2] : vector<1x128x1xf32> to vector<1xf32>
    %reduce_max3A_243 = vector.shape_cast %reduce_max3A_242 : vector<1xf32> to vector<1x1x1xf32>
    %reduce_max3A_244 = vector.extract %reduce_max3A_243[0, 0, 0] : f32 from vector<1x1x1xf32>
    %swap3A_245 = arith.constant 0 : index
    %swap3A_246 = arith.constant 0 : index
    %swap3A_247 = arith.constant 3 : index
    %swap3A_248 = memref.load %arg5[%swap3A_245, %swap3A_246, %swap3A_247] : memref<1x1x8xf32, #tpu.memory_space<smem>>
    memref.store %reduce_max3A_244, %arg5[%swap3A_245, %swap3A_246, %swap3A_247] : memref<1x1x8xf32, #tpu.memory_space<smem>>
    %swap3A_249 = arith.constant 3 : index
    %swap3A_250 = arith.constant 0 : index
    %swap3A_251 = arith.constant 0 : index
    %swap3A_252 = vector.load %arg6[%swap3A_249, %swap3A_250, %swap3A_251] : memref<8x1x128xf32, #tpu.memory_space<vmem>>, vector<1x1x128xf32>
    %swap3A_253 = vector.shape_cast %swap3A_252 : vector<1x1x128xf32> to vector<1x128xf32>
    %swap3A_254 = vector.shape_cast %dot_general3A_226 : vector<1x128xf32> to vector<1x1x128xf32>
    tpu.vector_store %arg6[%swap3A_249, %swap3A_250, %swap3A_251], %swap3A_254 {strides = array<i32>} : memref<8x1x128xf32, #tpu.memory_space<vmem>>, vector<1x1x128xf32>,
    %get3A_255 = arith.constant 0 : index
    %get3A_256 = arith.constant 4 : index
    %get3A_257 = arith.constant 0 : index
    %get3A_258 = memref.load %arg2[%get3A_255, %get3A_256, %get3A_257] : memref<1x8x3xf32, #tpu.memory_space<smem>>
    %get3A_259 = arith.constant 0 : index
    %get3A_260 = arith.constant 4 : index
    %get3A_261 = arith.constant 1 : index
    %get3A_262 = memref.load %arg2[%get3A_259, %get3A_260, %get3A_261] : memref<1x8x3xf32, #tpu.memory_space<smem>>
    %get3A_263 = arith.constant 0 : index
    %get3A_264 = arith.constant 4 : index
    %get3A_265 = arith.constant 2 : index
    %get3A_266 = memref.load %arg2[%get3A_263, %get3A_264, %get3A_265] : memref<1x8x3xf32, #tpu.memory_space<smem>>
    %sub3A_267 = vector.broadcast %get3A_258 : f32 to vector<128x128xf32>
    %sub3A_268 = arith.subf %sub3A_267, %get3A_4 : vector<128x128xf32>
    %sub3A_269 = vector.broadcast %get3A_262 : f32 to vector<128x128xf32>
    %sub3A_270 = arith.subf %sub3A_269, %get3A_10 : vector<128x128xf32>
    %sub3A_271 = vector.broadcast %get3A_266 : f32 to vector<128x128xf32>
    %sub3A_272 = arith.subf %sub3A_271, %get3A_16 : vector<128x128xf32>
    %mul3A_273 = arith.mulf %sub3A_268, %sub3A_268 : vector<128x128xf32>
    %mul3A_274 = arith.mulf %sub3A_270, %sub3A_270 : vector<128x128xf32>
    %add3A_275 = arith.addf %mul3A_273, %mul3A_274 : vector<128x128xf32>
    %mul3A_276 = arith.mulf %sub3A_272, %sub3A_272 : vector<128x128xf32>
    %add3A_277 = arith.addf %add3A_275, %mul3A_276 : vector<128x128xf32>
    %swap3A_278 = arith.constant 4 : index
    %swap3A_279 = arith.constant 0 : index
    %swap3A_280 = arith.constant 0 : index
    %swap3A_281 = vector.load %arg4[%swap3A_278, %swap3A_279, %swap3A_280] : memref<8x128x128xf32, #tpu.memory_space<vmem>>, vector<1x128x128xf32>
    %swap3A_282 = vector.shape_cast %swap3A_281 : vector<1x128x128xf32> to vector<128x128xf32>
    %swap3A_283 = vector.shape_cast %add3A_277 : vector<128x128xf32> to vector<1x128x128xf32>
    tpu.vector_store %arg4[%swap3A_278, %swap3A_279, %swap3A_280], %swap3A_283 {strides = array<i32>} : memref<8x128x128xf32, #tpu.memory_space<vmem>>, vector<1x128x128xf32>,
    %reduce_min3A_284 = arith.constant dense<0x7F800000> : vector<128xf32>
    %reduce_min3A_285 = vector.multi_reduction <minimumf>, %add3A_277, %reduce_min3A_284 [1] : vector<128x128xf32> to vector<128xf32>
    %broadcast_in_dim3A_286 = vector.shape_cast %reduce_min3A_285 : vector<128xf32> to vector<128x1xf32>
    %dot_general3A_287 = arith.constant dense<0.000000e+00> : vector<1x128xf32>
    %dot_general3A_288 = tpu.matmul %broadcast_in_dim3A_286, %convert_element_type3A_18, %dot_general3A_287 {dimension_numbers = #tpu.dot_dimension_numbers<[0], [0], [1], [1], [0, 1, 1, 1], [], []>, precision = #tpu.contract_precision<fp32>, transpose_lhs_hint = false} : vector<128x1xf32>, vector<128x128xf32>, vector<1x128xf32> -> vector<1x128xf32>
    %lt3A_289 = vector.broadcast %dot_general3A_288 : vector<1x128xf32> to vector<128x128xf32>
    %lt3A_290 = vector.broadcast %broadcast_in_dim3A_286 : vector<128x1xf32> to vector<128x128xf32>
    %lt3A_291 = arith.cmpf olt, %lt3A_289, %lt3A_290 : vector<128x128xf32>
    %convert_element_type3A_292 = arith.extui %lt3A_291 : vector<128x128xi1> to vector<128x128xi32>
    %reduce_sum3A_293 = arith.constant dense<0> : vector<128xi32>
    %reduce_sum3A_294 = vector.multi_reduction <add>, %convert_element_type3A_292, %reduce_sum3A_293 [1] : vector<128x128xi32> to vector<128xi32>
    %broadcast_in_dim3A_295 = vector.shape_cast %reduce_sum3A_294 : vector<128xi32> to vector<128x1xi32>
    %lt3A_296 = arith.constant 32 : i32
    %lt3A_297 = vector.broadcast %lt3A_296 : i32 to vector<128x1xi32>
    %lt3A_298 = arith.cmpi slt, %broadcast_in_dim3A_295, %lt3A_297 : vector<128x1xi32>
    %jit3A_299 = arith.constant 0xFF800000 : f32
    %broadcast_in_dim3A_300 = vector.broadcast %jit3A_299 : f32 to vector<128x1xf32>
    %select_n3A_301 = arith.select %lt3A_298, %broadcast_in_dim3A_286, %broadcast_in_dim3A_300 : vector<128x1xi1>, vector<128x1xf32>
    %reduce_max3A_302 = vector.shape_cast %select_n3A_301 : vector<128x1xf32> to vector<1x128x1xf32>
    %reduce_max3A_303 = arith.constant dense<0xFF800000> : vector<1xf32>
    %reduce_max3A_304 = vector.multi_reduction <maximumf>, %reduce_max3A_302, %reduce_max3A_303 [1, 2] : vector<1x128x1xf32> to vector<1xf32>
    %reduce_max3A_305 = vector.shape_cast %reduce_max3A_304 : vector<1xf32> to vector<1x1x1xf32>
    %reduce_max3A_306 = vector.extract %reduce_max3A_305[0, 0, 0] : f32 from vector<1x1x1xf32>
    %swap3A_307 = arith.constant 0 : index
    %swap3A_308 = arith.constant 0 : index
    %swap3A_309 = arith.constant 4 : index
    %swap3A_310 = memref.load %arg5[%swap3A_307, %swap3A_308, %swap3A_309] : memref<1x1x8xf32, #tpu.memory_space<smem>>
    memref.store %reduce_max3A_306, %arg5[%swap3A_307, %swap3A_308, %swap3A_309] : memref<1x1x8xf32, #tpu.memory_space<smem>>
    %swap3A_311 = arith.constant 4 : index
    %swap3A_312 = arith.constant 0 : index
    %swap3A_313 = arith.constant 0 : index
    %swap3A_314 = vector.load %arg6[%swap3A_311, %swap3A_312, %swap3A_313] : memref<8x1x128xf32, #tpu.memory_space<vmem>>, vector<1x1x128xf32>
    %swap3A_315 = vector.shape_cast %swap3A_314 : vector<1x1x128xf32> to vector<1x128xf32>
    %swap3A_316 = vector.shape_cast %dot_general3A_288 : vector<1x128xf32> to vector<1x1x128xf32>
    tpu.vector_store %arg6[%swap3A_311, %swap3A_312, %swap3A_313], %swap3A_316 {strides = array<i32>} : memref<8x1x128xf32, #tpu.memory_space<vmem>>, vector<1x1x128xf32>,
    %get3A_317 = arith.constant 0 : index
    %get3A_318 = arith.constant 5 : index
    %get3A_319 = arith.constant 0 : index
    %get3A_320 = memref.load %arg2[%get3A_317, %get3A_318, %get3A_319] : memref<1x8x3xf32, #tpu.memory_space<smem>>
    %get3A_321 = arith.constant 0 : index
    %get3A_322 = arith.constant 5 : index
    %get3A_323 = arith.constant 1 : index
    %get3A_324 = memref.load %arg2[%get3A_321, %get3A_322, %get3A_323] : memref<1x8x3xf32, #tpu.memory_space<smem>>
    %get3A_325 = arith.constant 0 : index
    %get3A_326 = arith.constant 5 : index
    %get3A_327 = arith.constant 2 : index
    %get3A_328 = memref.load %arg2[%get3A_325, %get3A_326, %get3A_327] : memref<1x8x3xf32, #tpu.memory_space<smem>>
    %sub3A_329 = vector.broadcast %get3A_320 : f32 to vector<128x128xf32>
    %sub3A_330 = arith.subf %sub3A_329, %get3A_4 : vector<128x128xf32>
    %sub3A_331 = vector.broadcast %get3A_324 : f32 to vector<128x128xf32>
    %sub3A_332 = arith.subf %sub3A_331, %get3A_10 : vector<128x128xf32>
    %sub3A_333 = vector.broadcast %get3A_328 : f32 to vector<128x128xf32>
    %sub3A_334 = arith.subf %sub3A_333, %get3A_16 : vector<128x128xf32>
    %mul3A_335 = arith.mulf %sub3A_330, %sub3A_330 : vector<128x128xf32>
    %mul3A_336 = arith.mulf %sub3A_332, %sub3A_332 : vector<128x128xf32>
    %add3A_337 = arith.addf %mul3A_335, %mul3A_336 : vector<128x128xf32>
    %mul3A_338 = arith.mulf %sub3A_334, %sub3A_334 : vector<128x128xf32>
    %add3A_339 = arith.addf %add3A_337, %mul3A_338 : vector<128x128xf32>
    %swap3A_340 = arith.constant 5 : index
    %swap3A_341 = arith.constant 0 : index
    %swap3A_342 = arith.constant 0 : index
    %swap3A_343 = vector.load %arg4[%swap3A_340, %swap3A_341, %swap3A_342] : memref<8x128x128xf32, #tpu.memory_space<vmem>>, vector<1x128x128xf32>
    %swap3A_344 = vector.shape_cast %swap3A_343 : vector<1x128x128xf32> to vector<128x128xf32>
    %swap3A_345 = vector.shape_cast %add3A_339 : vector<128x128xf32> to vector<1x128x128xf32>
    tpu.vector_store %arg4[%swap3A_340, %swap3A_341, %swap3A_342], %swap3A_345 {strides = array<i32>} : memref<8x128x128xf32, #tpu.memory_space<vmem>>, vector<1x128x128xf32>,
    %reduce_min3A_346 = arith.constant dense<0x7F800000> : vector<128xf32>
    %reduce_min3A_347 = vector.multi_reduction <minimumf>, %add3A_339, %reduce_min3A_346 [1] : vector<128x128xf32> to vector<128xf32>
    %broadcast_in_dim3A_348 = vector.shape_cast %reduce_min3A_347 : vector<128xf32> to vector<128x1xf32>
    %dot_general3A_349 = arith.constant dense<0.000000e+00> : vector<1x128xf32>
    %dot_general3A_350 = tpu.matmul %broadcast_in_dim3A_348, %convert_element_type3A_18, %dot_general3A_349 {dimension_numbers = #tpu.dot_dimension_numbers<[0], [0], [1], [1], [0, 1, 1, 1], [], []>, precision = #tpu.contract_precision<fp32>, transpose_lhs_hint = false} : vector<128x1xf32>, vector<128x128xf32>, vector<1x128xf32> -> vector<1x128xf32>
    %lt3A_351 = vector.broadcast %dot_general3A_350 : vector<1x128xf32> to vector<128x128xf32>
    %lt3A_352 = vector.broadcast %broadcast_in_dim3A_348 : vector<128x1xf32> to vector<128x128xf32>
    %lt3A_353 = arith.cmpf olt, %lt3A_351, %lt3A_352 : vector<128x128xf32>
    %convert_element_type3A_354 = arith.extui %lt3A_353 : vector<128x128xi1> to vector<128x128xi32>
    %reduce_sum3A_355 = arith.constant dense<0> : vector<128xi32>
    %reduce_sum3A_356 = vector.multi_reduction <add>, %convert_element_type3A_354, %reduce_sum3A_355 [1] : vector<128x128xi32> to vector<128xi32>
    %broadcast_in_dim3A_357 = vector.shape_cast %reduce_sum3A_356 : vector<128xi32> to vector<128x1xi32>
    %lt3A_358 = arith.constant 32 : i32
    %lt3A_359 = vector.broadcast %lt3A_358 : i32 to vector<128x1xi32>
    %lt3A_360 = arith.cmpi slt, %broadcast_in_dim3A_357, %lt3A_359 : vector<128x1xi32>
    %jit3A_361 = arith.constant 0xFF800000 : f32
    %broadcast_in_dim3A_362 = vector.broadcast %jit3A_361 : f32 to vector<128x1xf32>
    %select_n3A_363 = arith.select %lt3A_360, %broadcast_in_dim3A_348, %broadcast_in_dim3A_362 : vector<128x1xi1>, vector<128x1xf32>
    %reduce_max3A_364 = vector.shape_cast %select_n3A_363 : vector<128x1xf32> to vector<1x128x1xf32>
    %reduce_max3A_365 = arith.constant dense<0xFF800000> : vector<1xf32>
    %reduce_max3A_366 = vector.multi_reduction <maximumf>, %reduce_max3A_364, %reduce_max3A_365 [1, 2] : vector<1x128x1xf32> to vector<1xf32>
    %reduce_max3A_367 = vector.shape_cast %reduce_max3A_366 : vector<1xf32> to vector<1x1x1xf32>
    %reduce_max3A_368 = vector.extract %reduce_max3A_367[0, 0, 0] : f32 from vector<1x1x1xf32>
    %swap3A_369 = arith.constant 0 : index
    %swap3A_370 = arith.constant 0 : index
    %swap3A_371 = arith.constant 5 : index
    %swap3A_372 = memref.load %arg5[%swap3A_369, %swap3A_370, %swap3A_371] : memref<1x1x8xf32, #tpu.memory_space<smem>>
    memref.store %reduce_max3A_368, %arg5[%swap3A_369, %swap3A_370, %swap3A_371] : memref<1x1x8xf32, #tpu.memory_space<smem>>
    %swap3A_373 = arith.constant 5 : index
    %swap3A_374 = arith.constant 0 : index
    %swap3A_375 = arith.constant 0 : index
    %swap3A_376 = vector.load %arg6[%swap3A_373, %swap3A_374, %swap3A_375] : memref<8x1x128xf32, #tpu.memory_space<vmem>>, vector<1x1x128xf32>
    %swap3A_377 = vector.shape_cast %swap3A_376 : vector<1x1x128xf32> to vector<1x128xf32>
    %swap3A_378 = vector.shape_cast %dot_general3A_350 : vector<1x128xf32> to vector<1x1x128xf32>
    tpu.vector_store %arg6[%swap3A_373, %swap3A_374, %swap3A_375], %swap3A_378 {strides = array<i32>} : memref<8x1x128xf32, #tpu.memory_space<vmem>>, vector<1x1x128xf32>,
    %get3A_379 = arith.constant 0 : index
    %get3A_380 = arith.constant 6 : index
    %get3A_381 = arith.constant 0 : index
    %get3A_382 = memref.load %arg2[%get3A_379, %get3A_380, %get3A_381] : memref<1x8x3xf32, #tpu.memory_space<smem>>
    %get3A_383 = arith.constant 0 : index
    %get3A_384 = arith.constant 6 : index
    %get3A_385 = arith.constant 1 : index
    %get3A_386 = memref.load %arg2[%get3A_383, %get3A_384, %get3A_385] : memref<1x8x3xf32, #tpu.memory_space<smem>>
    %get3A_387 = arith.constant 0 : index
    %get3A_388 = arith.constant 6 : index
    %get3A_389 = arith.constant 2 : index
    %get3A_390 = memref.load %arg2[%get3A_387, %get3A_388, %get3A_389] : memref<1x8x3xf32, #tpu.memory_space<smem>>
    %sub3A_391 = vector.broadcast %get3A_382 : f32 to vector<128x128xf32>
    %sub3A_392 = arith.subf %sub3A_391, %get3A_4 : vector<128x128xf32>
    %sub3A_393 = vector.broadcast %get3A_386 : f32 to vector<128x128xf32>
    %sub3A_394 = arith.subf %sub3A_393, %get3A_10 : vector<128x128xf32>
    %sub3A_395 = vector.broadcast %get3A_390 : f32 to vector<128x128xf32>
    %sub3A_396 = arith.subf %sub3A_395, %get3A_16 : vector<128x128xf32>
    %mul3A_397 = arith.mulf %sub3A_392, %sub3A_392 : vector<128x128xf32>
    %mul3A_398 = arith.mulf %sub3A_394, %sub3A_394 : vector<128x128xf32>
    %add3A_399 = arith.addf %mul3A_397, %mul3A_398 : vector<128x128xf32>
    %mul3A_400 = arith.mulf %sub3A_396, %sub3A_396 : vector<128x128xf32>
    %add3A_401 = arith.addf %add3A_399, %mul3A_400 : vector<128x128xf32>
    %swap3A_402 = arith.constant 6 : index
    %swap3A_403 = arith.constant 0 : index
    %swap3A_404 = arith.constant 0 : index
    %swap3A_405 = vector.load %arg4[%swap3A_402, %swap3A_403, %swap3A_404] : memref<8x128x128xf32, #tpu.memory_space<vmem>>, vector<1x128x128xf32>
    %swap3A_406 = vector.shape_cast %swap3A_405 : vector<1x128x128xf32> to vector<128x128xf32>
    %swap3A_407 = vector.shape_cast %add3A_401 : vector<128x128xf32> to vector<1x128x128xf32>
    tpu.vector_store %arg4[%swap3A_402, %swap3A_403, %swap3A_404], %swap3A_407 {strides = array<i32>} : memref<8x128x128xf32, #tpu.memory_space<vmem>>, vector<1x128x128xf32>,
    %reduce_min3A_408 = arith.constant dense<0x7F800000> : vector<128xf32>
    %reduce_min3A_409 = vector.multi_reduction <minimumf>, %add3A_401, %reduce_min3A_408 [1] : vector<128x128xf32> to vector<128xf32>
    %broadcast_in_dim3A_410 = vector.shape_cast %reduce_min3A_409 : vector<128xf32> to vector<128x1xf32>
    %dot_general3A_411 = arith.constant dense<0.000000e+00> : vector<1x128xf32>
    %dot_general3A_412 = tpu.matmul %broadcast_in_dim3A_410, %convert_element_type3A_18, %dot_general3A_411 {dimension_numbers = #tpu.dot_dimension_numbers<[0], [0], [1], [1], [0, 1, 1, 1], [], []>, precision = #tpu.contract_precision<fp32>, transpose_lhs_hint = false} : vector<128x1xf32>, vector<128x128xf32>, vector<1x128xf32> -> vector<1x128xf32>
    %lt3A_413 = vector.broadcast %dot_general3A_412 : vector<1x128xf32> to vector<128x128xf32>
    %lt3A_414 = vector.broadcast %broadcast_in_dim3A_410 : vector<128x1xf32> to vector<128x128xf32>
    %lt3A_415 = arith.cmpf olt, %lt3A_413, %lt3A_414 : vector<128x128xf32>
    %convert_element_type3A_416 = arith.extui %lt3A_415 : vector<128x128xi1> to vector<128x128xi32>
    %reduce_sum3A_417 = arith.constant dense<0> : vector<128xi32>
    %reduce_sum3A_418 = vector.multi_reduction <add>, %convert_element_type3A_416, %reduce_sum3A_417 [1] : vector<128x128xi32> to vector<128xi32>
    %broadcast_in_dim3A_419 = vector.shape_cast %reduce_sum3A_418 : vector<128xi32> to vector<128x1xi32>
    %lt3A_420 = arith.constant 32 : i32
    %lt3A_421 = vector.broadcast %lt3A_420 : i32 to vector<128x1xi32>
    %lt3A_422 = arith.cmpi slt, %broadcast_in_dim3A_419, %lt3A_421 : vector<128x1xi32>
    %jit3A_423 = arith.constant 0xFF800000 : f32
    %broadcast_in_dim3A_424 = vector.broadcast %jit3A_423 : f32 to vector<128x1xf32>
    %select_n3A_425 = arith.select %lt3A_422, %broadcast_in_dim3A_410, %broadcast_in_dim3A_424 : vector<128x1xi1>, vector<128x1xf32>
    %reduce_max3A_426 = vector.shape_cast %select_n3A_425 : vector<128x1xf32> to vector<1x128x1xf32>
    %reduce_max3A_427 = arith.constant dense<0xFF800000> : vector<1xf32>
    %reduce_max3A_428 = vector.multi_reduction <maximumf>, %reduce_max3A_426, %reduce_max3A_427 [1, 2] : vector<1x128x1xf32> to vector<1xf32>
    %reduce_max3A_429 = vector.shape_cast %reduce_max3A_428 : vector<1xf32> to vector<1x1x1xf32>
    %reduce_max3A_430 = vector.extract %reduce_max3A_429[0, 0, 0] : f32 from vector<1x1x1xf32>
    %swap3A_431 = arith.constant 0 : index
    %swap3A_432 = arith.constant 0 : index
    %swap3A_433 = arith.constant 6 : index
    %swap3A_434 = memref.load %arg5[%swap3A_431, %swap3A_432, %swap3A_433] : memref<1x1x8xf32, #tpu.memory_space<smem>>
    memref.store %reduce_max3A_430, %arg5[%swap3A_431, %swap3A_432, %swap3A_433] : memref<1x1x8xf32, #tpu.memory_space<smem>>
    %swap3A_435 = arith.constant 6 : index
    %swap3A_436 = arith.constant 0 : index
    %swap3A_437 = arith.constant 0 : index
    %swap3A_438 = vector.load %arg6[%swap3A_435, %swap3A_436, %swap3A_437] : memref<8x1x128xf32, #tpu.memory_space<vmem>>, vector<1x1x128xf32>
    %swap3A_439 = vector.shape_cast %swap3A_438 : vector<1x1x128xf32> to vector<1x128xf32>
    %swap3A_440 = vector.shape_cast %dot_general3A_412 : vector<1x128xf32> to vector<1x1x128xf32>
    tpu.vector_store %arg6[%swap3A_435, %swap3A_436, %swap3A_437], %swap3A_440 {strides = array<i32>} : memref<8x1x128xf32, #tpu.memory_space<vmem>>, vector<1x1x128xf32>,
    %get3A_441 = arith.constant 0 : index
    %get3A_442 = arith.constant 7 : index
    %get3A_443 = arith.constant 0 : index
    %get3A_444 = memref.load %arg2[%get3A_441, %get3A_442, %get3A_443] : memref<1x8x3xf32, #tpu.memory_space<smem>>
    %get3A_445 = arith.constant 0 : index
    %get3A_446 = arith.constant 7 : index
    %get3A_447 = arith.constant 1 : index
    %get3A_448 = memref.load %arg2[%get3A_445, %get3A_446, %get3A_447] : memref<1x8x3xf32, #tpu.memory_space<smem>>
    %get3A_449 = arith.constant 0 : index
    %get3A_450 = arith.constant 7 : index
    %get3A_451 = arith.constant 2 : index
    %get3A_452 = memref.load %arg2[%get3A_449, %get3A_450, %get3A_451] : memref<1x8x3xf32, #tpu.memory_space<smem>>
    %sub3A_453 = vector.broadcast %get3A_444 : f32 to vector<128x128xf32>
    %sub3A_454 = arith.subf %sub3A_453, %get3A_4 : vector<128x128xf32>
    %sub3A_455 = vector.broadcast %get3A_448 : f32 to vector<128x128xf32>
    %sub3A_456 = arith.subf %sub3A_455, %get3A_10 : vector<128x128xf32>
    %sub3A_457 = vector.broadcast %get3A_452 : f32 to vector<128x128xf32>
    %sub3A_458 = arith.subf %sub3A_457, %get3A_16 : vector<128x128xf32>
    %mul3A_459 = arith.mulf %sub3A_454, %sub3A_454 : vector<128x128xf32>
    %mul3A_460 = arith.mulf %sub3A_456, %sub3A_456 : vector<128x128xf32>
    %add3A_461 = arith.addf %mul3A_459, %mul3A_460 : vector<128x128xf32>
    %mul3A_462 = arith.mulf %sub3A_458, %sub3A_458 : vector<128x128xf32>
    %add3A_463 = arith.addf %add3A_461, %mul3A_462 : vector<128x128xf32>
    %swap3A_464 = arith.constant 7 : index
    %swap3A_465 = arith.constant 0 : index
    %swap3A_466 = arith.constant 0 : index
    %swap3A_467 = vector.load %arg4[%swap3A_464, %swap3A_465, %swap3A_466] : memref<8x128x128xf32, #tpu.memory_space<vmem>>, vector<1x128x128xf32>
    %swap3A_468 = vector.shape_cast %swap3A_467 : vector<1x128x128xf32> to vector<128x128xf32>
    %swap3A_469 = vector.shape_cast %add3A_463 : vector<128x128xf32> to vector<1x128x128xf32>
    tpu.vector_store %arg4[%swap3A_464, %swap3A_465, %swap3A_466], %swap3A_469 {strides = array<i32>} : memref<8x128x128xf32, #tpu.memory_space<vmem>>, vector<1x128x128xf32>,
    %reduce_min3A_470 = arith.constant dense<0x7F800000> : vector<128xf32>
    %reduce_min3A_471 = vector.multi_reduction <minimumf>, %add3A_463, %reduce_min3A_470 [1] : vector<128x128xf32> to vector<128xf32>
    %broadcast_in_dim3A_472 = vector.shape_cast %reduce_min3A_471 : vector<128xf32> to vector<128x1xf32>
    %dot_general3A_473 = arith.constant dense<0.000000e+00> : vector<1x128xf32>
    %dot_general3A_474 = tpu.matmul %broadcast_in_dim3A_472, %convert_element_type3A_18, %dot_general3A_473 {dimension_numbers = #tpu.dot_dimension_numbers<[0], [0], [1], [1], [0, 1, 1, 1], [], []>, precision = #tpu.contract_precision<fp32>, transpose_lhs_hint = false} : vector<128x1xf32>, vector<128x128xf32>, vector<1x128xf32> -> vector<1x128xf32>
    %lt3A_475 = vector.broadcast %dot_general3A_474 : vector<1x128xf32> to vector<128x128xf32>
    %lt3A_476 = vector.broadcast %broadcast_in_dim3A_472 : vector<128x1xf32> to vector<128x128xf32>
    %lt3A_477 = arith.cmpf olt, %lt3A_475, %lt3A_476 : vector<128x128xf32>
    %convert_element_type3A_478 = arith.extui %lt3A_477 : vector<128x128xi1> to vector<128x128xi32>
    %reduce_sum3A_479 = arith.constant dense<0> : vector<128xi32>
    %reduce_sum3A_480 = vector.multi_reduction <add>, %convert_element_type3A_478, %reduce_sum3A_479 [1] : vector<128x128xi32> to vector<128xi32>
    %broadcast_in_dim3A_481 = vector.shape_cast %reduce_sum3A_480 : vector<128xi32> to vector<128x1xi32>
    %lt3A_482 = arith.constant 32 : i32
    %lt3A_483 = vector.broadcast %lt3A_482 : i32 to vector<128x1xi32>
    %lt3A_484 = arith.cmpi slt, %broadcast_in_dim3A_481, %lt3A_483 : vector<128x1xi32>
    %jit3A_485 = arith.constant 0xFF800000 : f32
    %broadcast_in_dim3A_486 = vector.broadcast %jit3A_485 : f32 to vector<128x1xf32>
    %select_n3A_487 = arith.select %lt3A_484, %broadcast_in_dim3A_472, %broadcast_in_dim3A_486 : vector<128x1xi1>, vector<128x1xf32>
    %reduce_max3A_488 = vector.shape_cast %select_n3A_487 : vector<128x1xf32> to vector<1x128x1xf32>
    %reduce_max3A_489 = arith.constant dense<0xFF800000> : vector<1xf32>
    %reduce_max3A_490 = vector.multi_reduction <maximumf>, %reduce_max3A_488, %reduce_max3A_489 [1, 2] : vector<1x128x1xf32> to vector<1xf32>
    %reduce_max3A_491 = vector.shape_cast %reduce_max3A_490 : vector<1xf32> to vector<1x1x1xf32>
    %reduce_max3A_492 = vector.extract %reduce_max3A_491[0, 0, 0] : f32 from vector<1x1x1xf32>
    %swap3A_493 = arith.constant 0 : index
    %swap3A_494 = arith.constant 0 : index
    %swap3A_495 = arith.constant 7 : index
    %swap3A_496 = memref.load %arg5[%swap3A_493, %swap3A_494, %swap3A_495] : memref<1x1x8xf32, #tpu.memory_space<smem>>
    memref.store %reduce_max3A_492, %arg5[%swap3A_493, %swap3A_494, %swap3A_495] : memref<1x1x8xf32, #tpu.memory_space<smem>>
    %swap3A_497 = arith.constant 7 : index
    %swap3A_498 = arith.constant 0 : index
    %swap3A_499 = arith.constant 0 : index
    %swap3A_500 = vector.load %arg6[%swap3A_497, %swap3A_498, %swap3A_499] : memref<8x1x128xf32, #tpu.memory_space<vmem>>, vector<1x1x128xf32>
    %swap3A_501 = vector.shape_cast %swap3A_500 : vector<1x1x128xf32> to vector<1x128xf32>
    %swap3A_502 = vector.shape_cast %dot_general3A_474 : vector<1x128xf32> to vector<1x1x128xf32>
    tpu.vector_store %arg6[%swap3A_497, %swap3A_498, %swap3A_499], %swap3A_502 {strides = array<i32>} : memref<8x1x128xf32, #tpu.memory_space<vmem>>, vector<1x1x128xf32>,
    return
  }
  func.func @transform_0(%arg0: i32, %arg1: i32) -> (i32, i32, i32) {
    %c0_i32 = arith.constant 0 : i32
    %c0_i32_0 = arith.constant 0 : i32
    return %arg0, %arg1, %c0_i32 : i32, i32, i32
  }
  func.func @transform_1(%arg0: i32, %arg1: i32) -> (i32, i32, i32, i32) {
    %c0_i32 = arith.constant 0 : i32
    %c0_i32_0 = arith.constant 0 : i32
    %c0_i32_1 = arith.constant 0 : i32
    %c0_i32_2 = arith.constant 0 : i32
    return %arg0, %c0_i32, %c0_i32_0, %c0_i32_1 : i32, i32, i32, i32
  }
  func.func @transform_2(%arg0: i32, %arg1: i32) -> (i32, i32, i32) {
    %mul3A = arith.constant 64 : i32
    %mul3A_0 = arith.muli %arg0, %mul3A : i32
    %add3A = arith.addi %mul3A_0, %arg1 : i32
    %c0_i32 = arith.constant 0 : i32
    %c0_i32_1 = arith.constant 0 : i32
    %c0_i32_2 = arith.constant 0 : i32
    return %add3A, %c0_i32, %c0_i32_1 : i32, i32, i32
  }
  func.func @transform_3(%arg0: i32, %arg1: i32) -> (i32, i32, i32) {
    %mul3A = arith.constant 64 : i32
    %mul3A_0 = arith.muli %arg0, %mul3A : i32
    %add3A = arith.addi %mul3A_0, %arg1 : i32
    %c0_i32 = arith.constant 0 : i32
    %c0_i32_1 = arith.constant 0 : i32
    %c0_i32_2 = arith.constant 0 : i32
    return %add3A, %c0_i32, %c0_i32_1 : i32, i32, i32
  }
  func.func @transform_4(%arg0: i32, %arg1: i32) -> (i32, i32, i32) {
    %mul3A = arith.constant 64 : i32
    %mul3A_0 = arith.muli %arg0, %mul3A : i32
    %add3A = arith.addi %mul3A_0, %arg1 : i32
    %c0_i32 = arith.constant 0 : i32
    %c0_i32_1 = arith.constant 0 : i32
    %c0_i32_2 = arith.constant 0 : i32
    return %add3A, %c0_i32, %c0_i32_1 : i32, i32, i32
  }
}

</mosaic_0001>

<sc_bundles>
// kernel: kernel.5.cloned.1.call-start
scs
__scs_entry_jumppad:
0x0: {  	(pc) =	sbr.rel $0x88, $3  }
0x1: {  	(tag) =	ssettag $0x0;
	lr =	simm.s32 $0x1  }
0x2: {  	[smem:$0x3FA0] =	sst lr;
	_ =	strace $0xD0000000  }
0x3: {  	_ = 	snop  }
0x4: {  	_ = 	snop  }
0x5: {  	_ = 	snop  }
0x6: {  	_ = 	snop  }
0x7: {  	_ = 	snop  }
__scs_overlays_trampoline_lowered:
0x8: {  	[smem:$0x3FAF] =	sst s0  }
0x9: {  	[smem:$0x3FB0] =	sst s1  }
0xa: {  	[smem:$0x3FB1] =	sst s2  }
0xb: {  	[smem:$0x3FB2] =	sst s3  }
0xc: {  	[smem:$0x3FB3] =	sst s4  }
0xd: {  	[smem:$0x3FB4] =	sst s5  }
0xe: {  	[smem:$0x3FB5] =	sst s6  }
0xf: {  	[smem:$0x3FB6] =	sst s7  }
0x10: {  	[smem:$0x3FB7] =	sst s8  }
0x11: {  	[smem:$0x3FB8] =	sst s9;
	s0 =	simm.s32 @!p0 $0x0  }
0x12: {  	s1 =	sld [smem:$0x3F9E];
	s0 =	simm.s32 @p0 $0x1  }
0x13: {  	[smem:$0x3FB9] =	sst s0;
	s0 =	simm.s32 @!p1 $0x0  }
0x14: {  	s2 =	sld [smem:$0x3F9D];
	s0 =	simm.s32 @p1 $0x1  }
0x15: {  	[smem:$0x3FBA] =	sst s0;
	s0 =	simm.s32 @!p2 $0x0  }
0x16: {  	s3 =	sld [smem:$0x3FDB];
	s0 =	simm.s32 @p2 $0x1  }
0x17: {  	s4 =	simm.s32 $0x1BF5;
	[smem:$0x3FBC] =	sst s0  }
0x18: {  	s0 =	sld [smem:$0x3F9F];
	_ =	swait.ge [sflag:s4], $0x0  }
0x19: {  	s7 =	sld [smem:$0x3FA0]  }
0x1a: {  	s8 =	sadd.s32 $0xFFFFE003, lr  }
0x1b: {  	s9 =	sadd.s32 $0xFFFFFEF7, lr;
	s5 =	simm.s32 $0xFFFFFFFF;
	p2 =	slt.u32 s8, $0xFFFFF086  }
0x1c: {  	p1 =	slt.u32 s9, $0xF7A;
	s5 =	simm.s32 @!p2 $0x0  }
0x1d: {  	s5 =	simm.s32 @p1 $0x1;
	p0 =	seq.s32 s7, s2  }
0x1e: {  	s7 =	smul.u32 @!p0 $0xF7A, s2;
	p2 =	seq.s32 @!p0 s5, $0x0  }
0x1f: {  	s9 =	smul.u32 $0xF7A, s1;
	s8 =	simm.s32 @!p0 $0x1BF5;
	p2 =	por !p2, p0  }
0x20: {  	[sflag:s8] =	ssyncset.s32 @!p0 $0xFFFFF086;
	s6 =	sadd.s32 @!p0 s3, s7;
	s7 =	simm.s32 @!p0 $0x108  }
0x21: {  	s3 =	sadd.s32 s3, s9;
	s6 =	sadd.s32 @!p0 $0x88, s6;
	s7 =	simm.s32 @p2 $0x1082  }
0x22: {  	[simem:s7], [sflag:s8] =	dma.local @!p0 [hbm:s6], $0xF7A  }
0x23: {  	s9 =	sor.u32 $0xD0000000, s2;
	s6 =	simm.s32 $0x108;
	_ =	swait.ge @!p0 [sflag:s8], $0x0  }
0x24: {  	s3 =	sadd.s32 $0x88, s3;
	s6 =	simm.s32 @!p1 $0x1082;
	[sflag:s4] =	ssyncset.s32 $0xFFFFF086  }
0x25: {  	[simem:s6], [sflag:s4] =	dma.local [hbm:s3], $0xF7A  }
0x26: {  	[smem:$0x3FA0] =	sst s1;
	(tag) =	ssettag s2;
	_ =	strace s9  }
0x27: {  	s1 =	sld [smem:$0x3FB0]  }
0x28: {  	s2 =	sld [smem:$0x3FB1]  }
0x29: {  	s4 =	sld [smem:$0x3FB3]  }
0x2a: {  	p0 =	seq.s32 s5, $0x0;
	s5 =	sld [smem:$0x3FB4]  }
0x2b: {  	s6 =	sld [smem:$0x3FB5]  }
0x2c: {  	s7 =	sld [smem:$0x3FB6]  }
0x2d: {  	s3 =	simm.s32 $0x108;
	s8 =	sld [smem:$0x3FB7]  }
0x2e: {  	s3 =	simm.s32 @!p0 $0x1082;
	s9 =	sld [smem:$0x3FB8]  }
0x2f: {  	lr =	sadd.s32 s0, s3;
	s0 =	sld [smem:$0x3FAF]  }
0x30: {  	s3 =	sld [smem:$0x3FB2]  }
0x31: {  	[smem:$0x3FBB] =	sst s10  }
0x32: {  	s10 =	sld [smem:$0x3FB9];
	_ =	sdelay $0x3  }
0x33: {  	p0 =	seq.s32 s10, $0x1;
	s10 =	sld [smem:$0x3FBB];
	_ =	sdelay $0x3  }
0x34: {  	[smem:$0x3FBB] =	sst s10  }
0x35: {  	s10 =	sld [smem:$0x3FBA];
	_ =	sdelay $0x3  }
0x36: {  	p1 =	seq.s32 s10, $0x1;
	s10 =	sld [smem:$0x3FBB];
	_ =	sdelay $0x3  }
0x37: {  	[smem:$0x3FBB] =	sst s10  }
0x38: {  	s10 =	sld [smem:$0x3FBC]  }
0x39: {  	_ = 	snop;
	(pc) =	sbr.ind lr, $3  }
0x3a: {  	_ = 	snop  }
0x3b: {  	_ = 	snop  }
0x3c: {  	p2 =	seq.s32 s10, $0x1;
	s10 =	sld [smem:$0x3FBB]  }
0x3d: {  	_ =	shalt  }
0x3e: {  	_ =	shalt  }
0x3f: {  	_ =	shalt  }
0x40: {  	_ =	shalt  }
0x41: {  	_ =	shalt  }
0x42: {  	_ =	shalt  }
0x43: {  	_ =	shalt  }
0x44: {  	_ =	shalt  }
0x45: {  	_ =	shalt  }
0x46: {  	_ =	shalt  }
0x47: {  	_ =	shalt  }
0x48: {  	_ =	shalt  }
0x49: {  	_ =	shalt  }
0x4a: {  	_ =	shalt  }
0x4b: {  	_ =	shalt  }
0x4c: {  	_ =	shalt  }
0x4d: {  	_ =	shalt  }
0x4e: {  	_ =	shalt  }
0x4f: {  	_ =	shalt  }
0x50: {  	_ =	shalt  }
0x51: {  	_ =	shalt  }
0x52: {  	_ =	shalt  }
0x53: {  	_ =	shalt  }
0x54: {  	_ =	shalt  }
0x55: {  	_ =	shalt  }
0x56: {  	_ =	shalt  }
0x57: {  	_ =	shalt  }
0x58: {  	_ =	shalt  }
0x59: {  	_ =	shalt  }
0x5a: {  	_ =	shalt  }
0x5b: {  	_ =	shalt  }
0x5c: {  	_ =	shalt  }
0x5d: {  	_ =	shalt  }
0x5e: {  	_ =	shalt  }
0x5f: {  	_ =	shalt  }
0x60: {  	_ =	shalt  }
0x61: {  	_ =	shalt  }
0x62: {  	_ =	shalt  }
0x63: {  	_ =	shalt  }
0x64: {  	_ =	shalt  }
0x65: {  	_ =	shalt  }
0x66: {  	_ =	shalt  }
0x67: {  	_ =	shalt  }
0x68: {  	_ =	shalt  }
0x69: {  	_ =	shalt  }
0x6a: {  	_ =	shalt  }
0x6b: {  	_ =	shalt  }
0x6c: {  	_ =	shalt  }
0x6d: {  	_ =	shalt  }
0x6e: {  	_ =	shalt  }
0x6f: {  	_ =	shalt  }
0x70: {  	_ =	shalt  }
0x71: {  	_ =	shalt  }
0x72: {  	_ =	shalt  }
0x73: {  	_ =	shalt  }
0x74: {  	_ =	shalt  }
0x75: {  	_ =	shalt  }
0x76: {  	_ =	shalt  }
0x77: {  	_ =	shalt  }
0x78: {  	_ =	shalt  }
0x79: {  	_ =	shalt  }
0x7a: {  	_ =	shalt  }
0x7b: {  	_ =	shalt  }
0x7c: {  	_ =	shalt  }
0x7d: {  	_ =	shalt  }
0x7e: {  	_ =	shalt  }
0x7f: {  	_ =	shalt  }
0x80: {  	_ =	shalt  }
0x81: {  	_ =	shalt  }
0x82: {  	_ =	shalt  }
0x83: {  	_ =	shalt  }
0x84: {  	_ =	shalt  }
0x85: {  	_ =	shalt  }
0x86: {  	_ =	shalt  }
0x87: {  	_ =	shalt  }
.Lfunc_end0:
.L_simem_size_0:
called_computation_lowered:
.L_overlay_start_0:
0x88: {  	s2 =	sld [smem:$0x3FD9]  }
0x89: {  	s3 =	sld [smem:$0x3FFE];
	_ =	sdelay $0x1  }
0x8a: {  	s1 =	srdreg.scid  }
0x8b: {  	s0 =	sand.u32 $0x1, s1  }
0x8c: {  	s14 =	sshll.u32 s0, $0xA;
	s2 =	sadd.s32 s3, s2  }
0x8d: {  	s2 =	sadd.s32 s2, s14  }
0x8e: {  	[smem:$0x3FC7] =	sst s2  }
0x8f: {  	_ = 	snop  }
0x90: {  	s2 =	sld [smem:$0x3FD0];
	_ =	sdelay $0x2  }
0x91: {  	s15 =	simm.s32 $0xA;
	s4 =	simm.s32 $0x10  }
0x92: {  	[smem:s4], [sflag:s15] =	dma.local [hbm:s2], $0x1  }
0x93: {  	_ =	swait.eq [sflag:s15], $0x1  }
0x94: {  	[sflag:s15] =	ssyncset.done $0x0  }
0x95: {  	[sflag:s15] =	ssyncadd.s32 $0xFFFFFFFF  }
0x96: {  	s16 =	sld [smem:$0x10];
	(tm) =	ssettm $0x1  }
0x97: {  	s17 =	sld [smem:$0x3FFB];
	_ =	sdelay $0x3  }
0x98: {  	_ =	strace s17  }
0x99: {  	s3 =	sld [smem:$0x3FFC];
	_ =	sdelay $0x3  }
0x9a: {  	_ =	strace s3  }
0x9b: {  	s3 =	sld [smem:$0x3FFD];
	_ =	sdelay $0x3  }
0x9c: {  	_ =	strace s3  }
0x9d: {  	_ =	strace $0x8FFFFFFF  }
0x9e: {  	s18 =	sld [smem:$0x3FDB];
	_ =	sdelay $0x1  }
0x9f: {  	s19 =	simm.s32 $_scs_section_size  }
0xa0: {  	s5 =	simm.s32 $_size__tile_overlayer_lowered;
	s6 =	simm.s32 $_tile_overlayer_lowered  }
0xa1: {  	s22 =	simm.s32 $0x1BFF;
	s21 =	sshll.u32 s6, $0x1;
	s3 =	sadd.s32 s19, s18  }
0xa2: {  	s7 =	simm.s32 $0x0;
	s20 =	sshll.u32 s5, $0x1;
	s5 =	sadd.s32 s21, s3  }
0xa3: {  	[timem:s7], [sflag:s22] =	dma.local [hbm:s5], s20  }
0xa4: {  	_ =	swait.ge [sflag:s22], s20  }
0xa5: {  	s4 =	ssub.s32 $0x0, s20;
	[sflag:s22] =	ssyncset.done $0x0  }
0xa6: {  	[sflag:s22] =	ssyncadd.s32 s4;
	_ =	sdelay $0x1  }
0xa7: {  	s23 =	simm.s32 $0x1B8B  }
0xa8: {  	_ =	swait.ge [sflag:s23], $0x1  }
0xa9: {  	[sflag:s23] =	ssyncset.done $0x0  }
0xaa: {  	s25 =	simm.s32 $0x1B8E;
	s24 =	sld [smem:$0x3FFE];
	[sflag:s23] =	ssyncadd.s32 $0xFFFFFFFF  }
0xab: {  	s26 =	simm.s32 $execute0_lowered;
	[smem:$0x3FD2] =	sst s25  }
0xac: {  	s5 =	sshll.u32 s26, $0x1;
	_ =	strace $0x80000046;
	[dreg:$0x1] =	wrdreg $0xFFFFFFFF  }
0xad: {  	s28 =	simm.s32 $_size_execute0_lowered;
	s3 =	sadd.s32 s3, s5;
	[dreg:$0x0] =	wrdreg $0x0  }
0xae: {  	s5 =	sshll.u32 s28, $0x1;
	[dreg:$0x2] =	wrdreg s3  }
0xaf: {  	[dreg:$0x3] =	wrdreg s5  }
0xb0: {  	[dreg:$0x4] =	wrdreg $0xC0  }
0xb1: {  	_ =	task [dreg:s7], $0x5FFFF  }
0xb2: {  	[dreg:$0x1] =	wrdreg $0xFFFFFFFF  }
0xb3: {  	[dreg:$0x0] =	wrdreg $0x60  }
0xb4: {  	[dreg:$0x2] =	wrdreg s16  }
0xb5: {  	[dreg:$0x3] =	wrdreg s24  }
0xb6: {  	[dreg:$0x4] =	wrdreg $0x9  }
0xb7: {  	_ =	task.clear_ibuf [dreg:s7], $0x5FFFF;
	_ =	strace $0x90000046  }
0xb8: {  	s29 =	simm.s32 $0x9;
	_ =	strace $0x80000048  }
0xb9: {  	_ =	swait.ge [sflag:s29], $0x1  }
0xba: {  	[sflag:s29] =	ssyncadd.s32 $0xFFFFFFFF  }
0xbb: {  	_ =	strace $0x90000048  }
0xbc: {  	_ =	sfence  }
0xbd: {  	s30 =	sld [smem:$0x0];
	_ =	sdelay $0x2  }
0xbe: {  	s31 =	sshll.u32 s1, $0xD;
	s1 =	sshrl.u32 s1, $0x2  }
0xbf: {  	s3 =	sand.u32 $0x4000, s31;
	s1 =	sadd.s32 s1, s30  }
0xc0: {  	s0 =	sor.u32 s3, s0;
	s1 =	sshll.u32 s1, $0x11  }
0xc1: {  	s0 =	sor.u32 s1, s0  }
0xc2: {  	s0 =	sadd.s32 $0x8F2B, s0  }
0xc3: {  	[sflag:s0] =	ssyncadd.remote.s32 $0x1  }
0xc4: {  	_ =	sfence.sel $0xFFFF  }
0xc5: {  	[dreg:$0x0] =	wrdreg $0xFFFFFFFF;
	(pc) =	sbr.abs _section_cstart, $3  }
0xc6: {  	[dreg:$0x1] =	wrdreg $0xFFFFFFFF  }
0xc7: {  	_ =	task.clear_ibuf [dreg:s7], $0x2FFFF;
	_ =	strace $0x9FFFFFFF  }
0xc8: {  	(tm) =	ssettm $0x7FFFFFFF  }
0xc9: {  	_ =	shalt  }
tec
execute0_lowered:
.L_overlay_start_1:
0x0: {  	(tag) =	ssettag $0x1  }
0x1: {  	s0 =	rddreg [dreg:$0x0];
	s1 =	simm.s32 $0x0  }
0x2: {  	[smem:$0x7FF] =	sst s1  }
0x3: {  	s2 =	rddreg [dreg:$0x1];
	v0 =	vimm.f32 $+Inf;
	_ =	strace $0x80000047  }
0x4: {  	(xrf0) =	vmin.scan.msk.f32 $0xffff, v0;
	_ =	sdelay $0x2  }
0x5: {  	s5 =	stileid.u32;
	s3 =	srdreg.scid  }
0x6: {  	s28 =	simm.s32 $0xC700;
	s4 =	sshll.u32 s5, $0x1;
	s6 =	sand.u32 $0x1, s3  }
0x7: {  	s7 =	sshrl.u32 s5, $0x2;
	s9 =	sadd.s32 $0x600, s2;
	s5 =	sadd.s32 $0xA00, s2  }
0x8: {  	s18 =	sand.u32 $0x6, s4;
	s19 =	sshll.u32 s7, $0x9;
	s12 =	smul.u32 $0x1800, s7;
	v1, _, _ =	vpop (xrf0)  }
0x9: {  	s11 =	sshll.u32 s7, $0xB;
	s21 =	ssub.s32 $0x2, s6;
	s13 =	smul.u32 $0x3, s7;
	(v2sf) =	vpush v1, $0xF  }
0xa: {  	s7 =	smul.u32 $0xC0, s7;
	s8 =	sor.u32 s6, s18;
	s6 =	sadd.s32 $0x400A00, s2  }
0xb: {  	s22 =	sshrl.u32 s21, $0x1;
	s3 =	sshll.u32 s8, $0x6;
	s8 =	sshll.u32 s8, $0x8  }
0xc: {  	s23 =	sadd.s32 s0, s12;
	s24 =	sadd.s32 $0x1, s13;
	s13 =	sadd.s32 $0x2, s13  }
0xd: {  	s29 =	sadd.s32 s9, s7;
	s4 =	sor.u32 s19, s3;
	s8 =	sor.u32 s11, s8  }
0xe: {  	[dreg:$0x3] =	wrdreg s23;
	s25 =	sshll.u32 s24, $0xB;
	s26 =	sshll.u32 s13, $0xB  }
0xf: {  	s11 =	sshll.u32 s24, $0x6;
	[dreg:$0x6] =	wrdreg s29;
	s31 =	sshll.u32 s13, $0x6  }
0x10: {  	s19 =	simm.s32 $0x1;
	s23 =	simm.s32 $0xC200;
	s24 =	simm.s32 $0xC400  }
0x11: {  	s20 =	sshrl.u32 s4, $0x3;
	s12 =	sadd.s32 s0, s25;
	s0 =	sadd.s32 s0, s26  }
0x12: {  	s30 =	sadd.s32 s9, s11;
	s14 =	sadd.s32 s9, s31;
	s25 =	simm.s32 $0xC600  }
0x13: {  	s26 =	simm.s32 $0xC800;
	s10 =	sadd.s32 s20, s2;
	[dreg:$0x4] =	wrdreg s12  }
.Ltmp0:
0x14: {  	s2 =	sadd.s32 s8, s2;
	[dreg:$0x5] =	wrdreg s0;
	(pc) =	sbr.rel .LBB2_1-.Ltmp0, $4  }
0x15: {  	s8 =	ssub.s32 s21, s22;
	[dreg:$0x7] =	wrdreg s30;
	s20 =	simm.s32 $0x4000  }
0x16: {  	s21 =	simm.s32 $0x8000;
	s22 =	simm.s32 $0xC000;
	s12 =	sadd.s32 $0x408A00, s10  }
0x17: {  	v2 =	vimm.s32 $0x0;
	s0 =	simm.s32 $0x0;
	s13 =	sadd.s32 $0x408C00, s2;
	s15 =	sadd.s32 $0x40AC00, s2  }
0x18: {  	vm0 =	vmmov $0x1;
	v3 =	vimm.s32 $0x40000000;
	s16 =	sadd.s32 $0x40CC00, s2;
	s17 =	smax.u32 s8, $0x1;
	v1 =	vlaneseq.u32;
	s18 =	spop (v2sf)  }
.LBB2_26:
0x19: {  	s2 =	simm.s32 $0x11000  }
0x1a: {  	[hbm4b:s13+s1] =	stream.linear.scatter [tilespmem:s2], [sflag:$0x1], $0x800, $0x38;
	[tilespmem:$0x12800] =	vst v63  }
0x1b: {  	_ =	swait.ge [sflag:s19], $0x800  }
0x1c: {  	[sflag:s19] =	ssyncset.done $0x0  }
0x1d: {  	s30 =	simm.s32 $0x11800;
	[sflag:s19] =	ssyncadd.s32 $0xFFFFF800  }
0x1e: {  	[hbm4b:s15+s1] =	stream.linear.scatter [tilespmem:s30], [sflag:$0x1], $0x800, $0x38;
	[tilespmem:$0x12800] =	vst v63  }
0x1f: {  	s0 =	sadd.s32 $0x1, s0;
	_ =	swait.ge [sflag:s19], $0x800  }
0x20: {  	p0 =	sne.s32 s0, s17;
	[sflag:s19] =	ssyncset.done $0x0  }
.Ltmp1:
0x21: {  	s31 =	simm.s32 $0x12000;
	[sflag:s19] =	ssyncadd.s32 $0xFFFFF800;
	(pc) =	sbr.rel @!p0 .LBB2_27-.Ltmp1, $4  }
0x22: {  	[hbm4b:s16+s1] =	stream.linear.scatter [tilespmem:s31], [sflag:$0x1], $0x800, $0x38;
	[tilespmem:$0x12800] =	vst v63  }
0x23: {  	_ =	swait.ge [sflag:s19], $0x800  }
0x24: {  	[sflag:s19] =	ssyncset.done $0x0  }
0x25: {  	[sflag:s19] =	ssyncadd.s32 $0xFFFFF800  }
.LBB2_1:
0x26: {  	s2 =	rddreg [dreg:$0x3]  }
0x27: {  	[tilespmem:s1], [sflag:$0x1] =	stream.linear.gather [hbm4b:s2+s1], $0x4000, $0x38;
	[tilespmem:$0x12800] =	vst v63  }
0x28: {  	_ =	swait.ge [sflag:s19], $0x4000  }
0x29: {  	[sflag:s19] =	ssyncset.done $0x0  }
0x2a: {  	s11 =	rddreg [dreg:$0x4];
	[sflag:s19] =	ssyncadd.s32 $0xFFFFC000  }
0x2b: {  	[tilespmem:s20], [sflag:$0x1] =	stream.linear.gather [hbm4b:s11+s1], $0x4000, $0x38;
	[tilespmem:$0x12800] =	vst v63  }
0x2c: {  	_ =	swait.ge [sflag:s19], $0x4000  }
0x2d: {  	[sflag:s19] =	ssyncset.done $0x0  }
0x2e: {  	s29 =	rddreg [dreg:$0x5];
	[sflag:s19] =	ssyncadd.s32 $0xFFFFC000  }
0x2f: {  	[tilespmem:s21], [sflag:$0x1] =	stream.linear.gather [hbm4b:s29+s1], $0x4000, $0x38;
	[tilespmem:$0x12800] =	vst v63  }
0x30: {  	_ =	swait.ge [sflag:s19], $0x4000  }
0x31: {  	[sflag:s19] =	ssyncset.done $0x0  }
0x32: {  	s30 =	rddreg [dreg:$0x6];
	[sflag:s19] =	ssyncadd.s32 $0xFFFFC000  }
0x33: {  	[tilespmem:s22], [sflag:$0x1] =	stream.linear.gather [hbm4b:s30+s1], $0x200, $0x38;
	[tilespmem:$0x12800] =	vst v63  }
0x34: {  	_ =	swait.ge [sflag:s19], $0x200  }
0x35: {  	[sflag:s19] =	ssyncset.done $0x0  }
0x36: {  	s31 =	rddreg [dreg:$0x7];
	[sflag:s19] =	ssyncadd.s32 $0xFFFFFE00  }
0x37: {  	[tilespmem:s23], [sflag:$0x1] =	stream.linear.gather [hbm4b:s31+s1], $0x200, $0x38;
	[tilespmem:$0x12800] =	vst v63  }
0x38: {  	_ =	swait.ge [sflag:s19], $0x200  }
0x39: {  	[sflag:s19] =	ssyncset.done $0x0  }
0x3a: {  	[sflag:s19] =	ssyncadd.s32 $0xFFFFFE00  }
0x3b: {  	[tilespmem:s24], [sflag:$0x1] =	stream.linear.gather [hbm4b:s14+s1], $0x200, $0x38;
	[tilespmem:$0x12800] =	vst v63  }
0x3c: {  	_ =	swait.ge [sflag:s19], $0x200  }
0x3d: {  	[sflag:s19] =	ssyncset.done $0x0  }
.Ltmp2:
0x3e: {  	[sflag:s19] =	ssyncadd.s32 $0xFFFFFE00;
	(pc) =	sbr.rel .LBB2_2-.Ltmp2, $4  }
0x3f: {  	[tilespmem:s25], [sflag:$0x1] =	stream.linear.gather [hbm4b:s12+s1], $0x40, $0x38;
	[tilespmem:$0x12800] =	vst v63  }
0x40: {  	_ =	swait.ge [sflag:s19], $0x40  }
0x41: {  	[sflag:s19] =	ssyncset.done $0x0  }
0x42: {  	s2 =	simm.s32 $0x0;
	[sflag:s19] =	ssyncadd.s32 $0xFFFFFFC0  }
.LBB2_25:
0x43: {  	s7 =	sor.u32 s3, s2  }
0x44: {  	v6 =	vmov s7;
	_ =	sdelay $0x3  }
0x45: {  	v8 =	vld.idx.msk [tilespmem:v5+s1+$0x0], $0xffff  }
0x46: {  	v7 =	vld.idx.msk [tilespmem:v6+s22+$0x0], $0xffff;
	_ =	sdelay $0x4  }
0x47: {  	v8 =	vsub.f32 v8, v7  }
0x48: {  	s31 =	sshll.u32 s2, $0x5;
	v9 =	vld.idx.msk [tilespmem:v6+s23+$0x0], $0xffff  }
0x49: {  	v6 =	vld.idx.msk [tilespmem:v6+s24+$0x0], $0xffff;
	[tilespmem:s31+$0x11000] =	vst v8  }
0x4a: {  	v8 =	vld.idx.msk [tilespmem:v4+s1+$0x0], $0xffff;
	_ =	sdelay $0x4  }
0x4b: {  	v7 =	vsub.f32 v8, v7;
	_ =	sdelay $0x1  }
0x4c: {  	[tilespmem:s31+$0x11010] =	vst v7  }
0x4d: {  	v7 =	vld.idx.msk [tilespmem:v5+s20+$0x0], $0xffff;
	_ =	sdelay $0x4  }
0x4e: {  	v7 =	vsub.f32 v7, v9  }
0x4f: {  	s8 =	sand.u32 $0x7E0, s31  }
0x50: {  	[tilespmem:s8+$0x11800] =	vst v7  }
0x51: {  	v7 =	vld.idx.msk [tilespmem:v4+s20+$0x0], $0xffff;
	_ =	sdelay $0x4  }
0x52: {  	v7 =	vsub.f32 v7, v9;
	_ =	sdelay $0x1  }
0x53: {  	[tilespmem:s31+$0x11810] =	vst v7  }
0x54: {  	v5 =	vld.idx.msk [tilespmem:v5+s21+$0x0], $0xffff;
	_ =	sdelay $0x4  }
0x55: {  	v5 =	vsub.f32 v5, v6;
	_ =	sdelay $0x1  }
0x56: {  	[tilespmem:s8+$0x12000] =	vst v5  }
0x57: {  	v4 =	vld.idx.msk [tilespmem:v4+s21+$0x0], $0xffff  }
0x58: {  	s2 =	sadd.s32 $0x1, s2  }
0x59: {  	p0 =	sne.s32 s2, $0x40  }
.Ltmp3:
0x5a: {  	_ = 	snop;
	(pc) =	sbr.rel @!p0 .LBB2_26-.Ltmp3, $3  }
0x5b: {  	_ = 	snop  }
0x5c: {  	v4 =	vsub.f32 v4, v6;
	_ =	sdelay $0x1  }
0x5d: {  	[tilespmem:s31+$0x12010] =	vst v4  }
.LBB2_2:
0x5e: {  	s7 =	sor.u32 s4, s2  }
0x5f: {  	s8 =	sshll.u32 s7, $0x4  }
0x60: {  	s8 =	sand.u32 $0x1FFFFFF0, s8  }
0x61: {  	s10 =	simm.s32 $0xC680;
	v4 =	vmov s2;
	s9 =	sadd.s32 s6, s8;
	s8 =	simm.s32 $0x0  }
0x62: {  	[tilespmem:s10], [sflag:$0x1] =	stream.linear.gather [hbm4b:s9+s8], $0x80, $0x38;
	[tilespmem:$0x12800] =	vst v63  }
0x63: {  	_ =	swait.ge [sflag:s19], $0x80  }
0x64: {  	[sflag:s19] =	ssyncset.done $0x0  }
0x65: {  	[sflag:s19] =	ssyncadd.s32 $0xFFFFFF80  }
0x66: {  	v4 =	vld.idx.msk [tilespmem:v4+s25+$0x0], $0xffff  }
0x67: {  	v5 =	vld [tilespmem:s10+$0x0];
	_ =	sdelay $0x4  }
0x68: {  	vm1 =	vle.f32 v5, v4  }
0x69: {  	v5 =	vsel vm1, $0x1, v2  }
0x6a: {  	(xrf0) =	vadd.scan.msk.s32 $0xffff, v5;
	_ =	sdelay $0x5  }
0x6b: {  	v6, _, _ =	vpop (xrf0)  }
0x6c: {  	v5 =	vor.u32 s8, v1;
	(v2sf) =	vpush v6, $0xF  }
0x6d: {  	s9 =	simm.s32 $0xC690;
	[tilespmem:s8+$0xC700] =	vst.msk vm1, v5  }
0x6e: {  	s29 =	simm.s32 $0x10;
	s30 =	simm.s32 $0x20;
	v5 =	vld [tilespmem:s9+$0x0]  }
.LBB2_3:
0x6f: {  	p0 =	sne.s32 s30, $0x70;
	_ =	sdelay $0x3  }
0x70: {  	vm1 =	vle.f32 v5, v4  }
0x71: {  	v5 =	vsel vm1, $0x1, v2  }
0x72: {  	(xrf0) =	vadd.scan.msk.s32 $0xffff, v5;
	_ =	sdelay $0x4  }
.Ltmp4:
0x73: {  	(pc) =	sbr.rel @p0 .LBB2_3-.Ltmp4, $4  }
0x74: {  	v5, _, _ =	vpop (xrf0);
	s10 =	spop (v2sf)  }
0x75: {  	v6 =	vor.u32 s29, v1;
	s29 =	smov.u32 s30;
	(v2sf) =	vpush v5, $0xF;
	s8 =	sadd.s32 s8, s10  }
0x76: {  	s9 =	sadd.s32 $0x10, s9;
	[tilespmem:s8+$0xC700] =	vst.msk vm1, v6  }
0x77: {  	s30 =	sadd.s32 $0x10, s30;
	v5 =	vld [tilespmem:s9+$0x0]  }
0x78: {  	_ =	sdelay $0x3  }
0x79: {  	vm1 =	vle.f32 v5, v4  }
0x7a: {  	v5 =	vsel vm1, $0x1, v2  }
0x7b: {  	(xrf0) =	vadd.scan.msk.s32 $0xffff, v5;
	_ =	sdelay $0x5  }
0x7c: {  	v5, _, _ =	vpop (xrf0)  }
0x7d: {  	(v2sf) =	vpush v5, $0xF;
	_ =	sdelay $0xd  }
0x7e: {  	s9 =	spop (v2sf)  }
0x7f: {  	s8 =	sadd.s32 s8, s9;
	s11 =	spop (v2sf)  }
0x80: {  	s7 =	sshll.u32 s7, $0xB;
	s30 =	sadd.s32 s8, s11  }
0x81: {  	s7 =	sand.u32 $0x1FFFF800, s7;
	v5 =	vor.u32 s29, v1;
	p0 =	sgt.s32 s30, $0x0  }
.Ltmp5:
0x82: {  	s7 =	sadd.s32 s5, s7;
	s29 =	simm.s32 $0x0;
	[tilespmem:s8+$0xC700] =	vst.msk vm1, v5;
	(pc) =	sbr.rel @!p0 .LBB2_5-.Ltmp5, $4  }
0x83: {  	[tilespmem:s26], [sflag:$0x1] =	stream.linear.gather [hbm4b:s7+s29], $0x4000, $0x38;
	[tilespmem:$0x12800] =	vst v63  }
0x84: {  	_ =	swait.ge [sflag:s19], $0x4000  }
0x85: {  	[sflag:s19] =	ssyncset.done $0x0  }
0x86: {  	s31 =	simm.s32 $0x0;
	s7 =	simm.s32 $0x0;
	[sflag:s19] =	ssyncadd.s32 $0xFFFFC000  }
.LBB2_9:
0x87: {  	v5 =	vmov s31;
	_ =	sdelay $0x4  }
0x88: {  	v5 =	vld.idx.msk [tilespmem:v5+s28+$0x0], $0xffff;
	_ =	sdelay $0x4  }
0x89: {  	v5 =	vnsel vm0, $0x0, v5  }
0x8a: {  	(xrf0) =	vadd.scan.msk.s32 $0xffff, v5;
	_ =	sdelay $0x5  }
0x8b: {  	v5, _, _ =	vpop (xrf0)  }
0x8c: {  	(v2sf) =	vpush v5, $0xF;
	_ =	sdelay $0xe  }
0x8d: {  	s8 =	spop (v2sf)  }
0x8e: {  	s8 =	sshll.u32 s8, $0x7  }
0x8f: {  	s9 =	sadd.s32 $0xC800, s8  }
0x90: {  	v5 =	vmov s9;
	_ =	sdelay $0x3  }
0x91: {  	s11 =	simm.s32 $0x0  }
0x92: {  	v6 =	vld.idx.msk [tilespmem:v5+s11+$0x0 ss:$0x1], $0xffff;
	_ =	sdelay $0x4  }
0x93: {  	vm1 =	vle.f32 v6, v4  }
0x94: {  	v7 =	vsel vm1, $0x1, v2  }
0x95: {  	(xrf0) =	vadd.scan.msk.s32 $0xffff, v7;
	_ =	sdelay $0x5  }
0x96: {  	v7, _, _ =	vpop (xrf0)  }
0x97: {  	(v2sf) =	vpush v7, $0xF  }
0x98: {  	[tilespmem:s29+$0x10800] =	vst.msk vm1, v6;
	v6 =	vor.u32 s8, v1  }
0x99: {  	s10 =	simm.s32 $0x10;
	s9 =	simm.s32 $0x80;
	[tilespmem:s29+$0x10C00] =	vst.msk vm1, v6  }
.LBB2_10:
0x9a: {  	p0 =	sne.s32 s9, $0x1C0;
	v6 =	vld.idx.msk [tilespmem:v5+s10+$0x0 ss:$0x1], $0xffff;
	_ =	sdelay $0x5  }
0x9b: {  	vm1 =	vle.f32 v6, v4  }
0x9c: {  	v7 =	vsel vm1, $0x1, v2  }
0x9d: {  	(xrf0) =	vadd.scan.msk.s32 $0xffff, v7;
	_ =	sdelay $0x3  }
0x9e: {  	s10 =	spop (v2sf)  }
.Ltmp6:
0x9f: {  	s29 =	sadd.s32 s29, s10;
	s7 =	sadd.s32 s7, s10;
	(pc) =	sbr.rel @p0 .LBB2_10-.Ltmp6, $4  }
0xa0: {  	v7, _, _ =	vpop (xrf0);
	p1 =	slt.s32 s29, $0x3F0  }
0xa1: {  	s8 =	sadd.s32 $0x10, s8;
	(v2sf) =	vpush v7, $0xF;
	s29 =	simm.s32 @!p1 $0x3F0  }
0xa2: {  	[tilespmem:s29+$0x10800] =	vst.msk vm1, v6;
	v6 =	vor.u32 s8, v1  }
0xa3: {  	s10 =	sshra.s32 s9, $0x2;
	s9 =	sadd.s32 $0x40, s9;
	[tilespmem:s29+$0x10C00] =	vst.msk vm1, v6  }
0xa4: {  	_ =	sdelay $0x3  }
0xa5: {  	v5 =	vld.idx.msk [tilespmem:v5+s10+$0x0 ss:$0x1], $0xffff;
	_ =	sdelay $0x4  }
0xa6: {  	vm1 =	vle.f32 v5, v4  }
0xa7: {  	v6 =	vsel vm1, $0x1, v2  }
0xa8: {  	(xrf0) =	vadd.scan.msk.s32 $0xffff, v6;
	_ =	sdelay $0x5  }
0xa9: {  	v6, _, _ =	vpop (xrf0)  }
0xaa: {  	(v2sf) =	vpush v6, $0xF;
	_ =	sdelay $0xb  }
0xab: {  	s31 =	sadd.s32 $0x1, s31;
	s9 =	spop (v2sf)  }
0xac: {  	p1 =	sne.s32 s31, s30;
	s10 =	sadd.s32 s29, s9  }
.Ltmp7:
0xad: {  	p0 =	slt.s32 s10, $0x3F0;
	(pc) =	sbr.rel @p1 .LBB2_9-.Ltmp7, $4  }
0xae: {  	s10 =	simm.s32 @!p0 $0x3F0;
	s11 =	spop (v2sf)  }
0xaf: {  	s8 =	sadd.s32 $0x10, s8;
	s29 =	sadd.s32 s10, s11  }
0xb0: {  	s7 =	sadd.s32 s7, s9;
	v6 =	vor.u32 s8, v1;
	[tilespmem:s10+$0x10800] =	vst.msk vm1, v5;
	p0 =	slt.s32 s29, $0x3F0  }
0xb1: {  	[tilespmem:s10+$0x10C00] =	vst.msk vm1, v6;
	s7 =	sadd.s32 s7, s11;
	s29 =	simm.s32 @!p0 $0x3F0  }
0xb2: {  	p0 =	sgt.s32 s7, $0x3F0  }
.Ltmp8:
0xb3: {  	_ = 	snop;
	(pc) =	sbr.rel @!p0 .LBB2_6-.Ltmp8, $3  }
0xb4: {  	_ =	sdelay $0x1  }
0xb5: {  	[tilespmem:s29+$0x10800] =	vst v0  }
0xb6: {  	[tilespmem:s29+$0x10C00] =	vst v3  }
0xb7: {  	s29 =	simm.s32 $0x0  }
0xb8: {  	s7 =	simm.f32 $-Inf;
	s8 =	simm.s32 $0xFFFFFFFF;
	v4 =	vimm.s32 $0x0;
	v5 =	vimm.s32 $0x0;
	s30 =	simm.s32 $0x0  }
.LBB2_14:
0xb9: {  	s9 =	sand.u32 $0x3FF0, s29  }
0xba: {  	v9 =	vld [tilespmem:s9+$0xC800];
	_ =	sdelay $0x1  }
0xbb: {  	v6 =	vmov s7  }
0xbc: {  	v7 =	vmov s8;
	v8 =	vimm.f32 $+Inf;
	s7 =	simm.s32 $0x10;
	v10 =	vor.u32 s29, v1  }
.LBB2_15:
0xbd: {  	s8 =	sand.u32 $0x3FF0, s7  }
0xbe: {  	p0 =	sne.s32 s7, $0x3FF0;
	vm1 =	veq.f32 v9, v6;
	vm2 =	vgt.s32 v10, v7;
	v10 =	vmov v9;
	s9 =	smov.u32 s7;
	s7 =	sadd.s32 $0x10, s7  }
.Ltmp9:
0xbf: {  	v9 =	vld [tilespmem:s8+$0xC800];
	vm3 =	vgt.f32 v10, v6;
	vm1 =	vmand vm2, vm1;
	(pc) =	sbr.rel @p0 .LBB2_15-.Ltmp9, $3  }
0xc0: {  	v10 =	vmin.f32 v8, v10;
	vm1 =	vmor vm3, vm1  }
0xc1: {  	v8 =	vsel vm1, v10, v8;
	_ =	sdelay $0x1  }
0xc2: {  	v10 =	vor.u32 s9, v1  }
0xc3: {  	vm1 =	veq.f32 v9, v6;
	vm2 =	vgt.s32 v10, v7  }
0xc4: {  	vm3 =	vgt.f32 v9, v6;
	vm1 =	vmand vm2, vm1  }
0xc5: {  	v9 =	vmin.f32 v8, v9;
	vm1 =	vmor vm3, vm1  }
0xc6: {  	v8 =	vsel vm1, v9, v8  }
0xc7: {  	(xrf0) =	vmin.scan.msk.f32 $0xffff, v8;
	_ =	sdelay $0x1  }
0xc8: {  	s8 =	simm.s32 $0x0  }
0xc9: {  	s9 =	sand.u32 $0x3FF0, s8  }
0xca: {  	v11 =	vld [tilespmem:s9+$0xC800];
	_ =	sdelay $0x1  }
0xcb: {  	v8, _, _ =	vpop (xrf0)  }
0xcc: {  	s7 =	simm.s32 $0x10;
	v12 =	vor.u32 s8, v1;
	v9 =	vimm.s32 $0x40000000;
	v10 =	vbroadcast v8, $0xF  }
.LBB2_17:
0xcd: {  	s8 =	sand.u32 $0x3FF0, s7  }
0xce: {  	p0 =	sne.s32 s7, $0x3FF0;
	vm1 =	vgt.f32 v11, v6;
	vm2 =	vgt.s32 v12, v7;
	s9 =	smov.u32 s7;
	s7 =	sadd.s32 $0x10, s7  }
.Ltmp10:
0xcf: {  	vm3 =	veq.f32 v11, v10;
	v11 =	vld [tilespmem:s8+$0xC800];
	vm1 =	vmor vm2, vm1;
	(pc) =	sbr.rel @p0 .LBB2_17-.Ltmp10, $4  }
0xd0: {  	vm1 =	vmand vm3, vm1  }
0xd1: {  	v13 =	vnsel vm1, $0x40000000, v12  }
0xd2: {  	vm1 =	vlt.s32 v9, v13  }
0xd3: {  	v12 =	vor.u32 s9, v1;
	v9 =	vsel vm1, v9, v13  }
0xd4: {  	vm1 =	vgt.f32 v11, v6;
	vm2 =	vgt.s32 v12, v7  }
0xd5: {  	vm3 =	veq.f32 v11, v10;
	vm1 =	vmor vm2, vm1  }
0xd6: {  	vm1 =	vmand vm3, vm1  }
0xd7: {  	v6 =	vnsel vm1, $0x40000000, v12  }
0xd8: {  	vm1 =	vlt.s32 v9, v6  }
0xd9: {  	v6 =	vsel vm1, v9, v6  }
0xda: {  	v6 =	vxor.u32 $0x80000000, v6  }
0xdb: {  	(xrf0) =	vmin.scan.msk.u32 $0xffff, v6;
	_ =	sdelay $0x5  }
0xdc: {  	(v2sf) =	vpush v8, $0xF;
	v6, _, _ =	vpop (xrf0)  }
0xdd: {  	(v2sf) =	vpush v6, $0xF;
	_ =	sdelay $0xa  }
0xde: {  	s8 =	sadd.s32 $0xFFFFFFF0, s30;
	v6 =	vmov s30;
	s30 =	sadd.s32 $0x1, s30  }
0xdf: {  	p0 =	sne.s32 s30, $0x20  }
.Ltmp11:
0xe0: {  	_ = 	snop;
	(pc) =	sbr.rel @p0 .LBB2_14-.Ltmp11, $4  }
.Ltmp12:
0xe1: {  	s7 =	spop (v2sf);
	(pc) =	sbr.rel @!p0 .LBB2_25-.Ltmp12, $4  }
0xe2: {  	v7 =	vmov s8;
	s9 =	spop (v2sf)  }
0xe3: {  	vm2 =	veq.s32 v7, v1;
	vm1 =	veq.s32 v6, v1;
	s8 =	sxor.u32 $0x80000000, s9  }
0xe4: {  	v5 =	vsel vm1, s8, v5;
	v4 =	vsel vm2, s8, v4  }
0xe5: {  	_ = 	snop  }
.LBB2_5:
0xe6: {  	[tilespmem:$0x10800] =	vst v0  }
0xe7: {  	[tilespmem:$0x10C00] =	vst v3;
	s29 =	simm.s32 $0x0  }
.LBB2_6:
0xe8: {  	s7 =	sand.u32 $0xF, s29  }
0xe9: {  	s8 =	sshra.s32 s29, $0x1F;
	p0 =	slt.s32 s29, $0x1;
	p1 =	sne.s32 s7, $0x0  }
.Ltmp13:
0xea: {  	s11 =	sshrl.u32 s8, $0x1C;
	p0 =	por !p0, !p1;
	(pc) =	sbr.rel .LBB2_7-.Ltmp13, $4  }
0xeb: {  	s8 =	simm.s32 $0x1;
	s7 =	sadd.s32 s11, s29;
	p0 =	por !p0, !p0  }
0xec: {  	s7 =	sshra.s32 s7, $0x4;
	s8 =	simm.s32 @!p0 $0x0  }
0xed: {  	s30 =	simm.s32 $0x0;
	s31 =	simm.f32 $-Inf;
	s7 =	ssub.s32 s7, s8  }
0xee: {  	s9 =	simm.s32 $0xFFFFFFFF;
	v4 =	vimm.s32 $0x0;
	v5 =	vimm.s32 $0x0;
	s29 =	sadd.s32 $0x1, s7;
	p0 =	slt.s32 s7, $0x0  }
.LBB2_8:
0xef: {  	v6 =	vimm.s32 $0xC0000000;
	s31 =	smov.u32 s18  }
.LBB2_24:
0xf0: {  	(xrf0) =	vmin.scan.msk.u32 $0xffff, v6;
	_ =	sdelay $0x5  }
0xf1: {  	v6, _, _ =	vpop (xrf0)  }
0xf2: {  	(v2sf) =	vpush v6, $0xF;
	_ =	sdelay $0xa  }
0xf3: {  	s7 =	sadd.s32 $0xFFFFFFF0, s30;
	v6 =	vmov s30;
	s30 =	sadd.s32 $0x1, s30  }
0xf4: {  	p1 =	seq.s32 s30, $0x20  }
.Ltmp14:
0xf5: {  	_ = 	snop;
	(pc) =	sbr.rel @p1 .LBB2_25-.Ltmp14, $4  }
0xf6: {  	_ = 	snop  }
0xf7: {  	v7 =	vmov s7;
	s8 =	spop (v2sf)  }
0xf8: {  	vm2 =	veq.s32 v7, v1;
	vm1 =	veq.s32 v6, v1;
	s9 =	sxor.u32 $0x80000000, s8  }
0xf9: {  	v5 =	vsel vm1, s9, v5;
	v4 =	vsel vm2, s9, v4  }
.LBB2_7:
.Ltmp15:
0xfa: {  	(pc) =	sbr.rel @p0 .LBB2_8-.Ltmp15, $1  }
0xfb: {  	_ =	sdelay $0x3  }
0xfc: {  	s8 =	simm.s32 $0x10800  }
0xfd: {  	s7 =	simm.s32 $0x10C00;
	p1 =	sne.s32 s29, $0x1;
	v9 =	vld [tilespmem:s8+$0x0]  }
.Ltmp16:
0xfe: {  	v10 =	vld [tilespmem:s7+$0x0];
	(pc) =	sbr.rel @!p1 .LBB2_21-.Ltmp16, $2  }
0xff: {  	_ =	sdelay $0x2  }
0x100: {  	v6 =	vmov s31;
	v7 =	vmov s9;
	v8 =	vimm.f32 $+Inf;
	s9 =	sadd.s32 $0xFFFFFFFF, s29;
	s31 =	simm.s32 $0x10810;
	s10 =	simm.s32 $0x10C00  }
.LBB2_20:
0x101: {  	v11 =	vld [tilespmem:s31+$0x0];
	vm1 =	veq.f32 v9, v6;
	vm2 =	vgt.s32 v10, v7;
	s10 =	sadd.s32 $0x10, s10;
	p2 =	sne.s32 s9, $0x1  }
.Ltmp17:
0x102: {  	s9 =	sadd.s32 $0xFFFFFFFF, s9;
	vm3 =	vgt.f32 v9, v6;
	v10 =	vld [tilespmem:s10+$0x0];
	vm1 =	vmand vm1, vm2;
	(pc) =	sbr.rel @p2 .LBB2_20-.Ltmp17, $3  }
0x103: {  	v9 =	vmin.f32 v8, v9;
	vm1 =	vmor vm3, vm1  }
0x104: {  	v8 =	vsel vm1, v9, v8;
	_ =	sdelay $0x1  }
0x105: {  	s31 =	sadd.s32 $0x10, s31;
	v9 =	vmov v11  }
.LBB2_21:
0x106: {  	vm1 =	veq.f32 v9, v6;
	vm2 =	vgt.s32 v10, v7  }
0x107: {  	vm3 =	vgt.f32 v9, v6;
	vm1 =	vmand vm1, vm2  }
0x108: {  	v9 =	vmin.f32 v8, v9;
	vm1 =	vmor vm3, vm1  }
0x109: {  	v8 =	vsel vm1, v9, v8  }
0x10a: {  	(xrf0) =	vmin.scan.msk.f32 $0xffff, v8;
	_ =	sdelay $0x5  }
0x10b: {  	v8, _, _ =	vpop (xrf0)  }
0x10c: {  	(v2sf) =	vpush v8, $0xF;
	_ =	sdelay $0x9  }
0x10d: {  	v11 =	vld [tilespmem:s8+$0x0]  }
.Ltmp18:
0x10e: {  	v10 =	vld [tilespmem:s7+$0x0];
	(pc) =	sbr.rel @!p1 .LBB2_23-.Ltmp18, $2  }
0x10f: {  	_ =	sdelay $0x2  }
0x110: {  	s8 =	sadd.s32 $0xFFFFFFFF, s29;
	s9 =	simm.s32 $0x10810;
	v9 =	vbroadcast v8, $0xF;
	v8 =	vimm.s32 $0x40000000;
	s31 =	spop (v2sf)  }
.LBB2_22:
0x111: {  	v12 =	vld [tilespmem:s9+$0x0];
	vm1 =	vgt.f32 v11, v6;
	vm2 =	vgt.s32 v10, v7;
	s7 =	sadd.s32 $0x10, s7;
	v13 =	vmov v10;
	p1 =	sne.s32 s8, $0x1  }
.Ltmp19:
0x112: {  	s8 =	sadd.s32 $0xFFFFFFFF, s8;
	vm3 =	veq.f32 v11, v9;
	v10 =	vld [tilespmem:s7+$0x0];
	vm1 =	vmor vm1, vm2;
	(pc) =	sbr.rel @p1 .LBB2_22-.Ltmp19, $4  }
0x113: {  	vm1 =	vmand vm3, vm1  }
0x114: {  	v13 =	vnsel vm1, $0x40000000, v13  }
0x115: {  	vm1 =	vlt.s32 v8, v13  }
0x116: {  	s9 =	sadd.s32 $0x10, s9;
	v8 =	vsel vm1, v8, v13;
	v11 =	vmov v12  }
.LBB2_23:
0x117: {  	vm1 =	vgt.f32 v11, v6;
	vm2 =	vgt.s32 v10, v7  }
0x118: {  	vm3 =	veq.f32 v11, v9;
	vm1 =	vmor vm1, vm2  }
.Ltmp20:
0x119: {  	vm1 =	vmand vm3, vm1;
	(pc) =	sbr.rel .LBB2_24-.Ltmp20, $4  }
0x11a: {  	v6 =	vnsel vm1, $0x40000000, v10  }
0x11b: {  	vm1 =	vlt.s32 v8, v6  }
0x11c: {  	v6 =	vsel vm1, v8, v6  }
0x11d: {  	v6 =	vxor.u32 $0x80000000, v6  }
.LBB2_27:
0x11e: {  	_ =	sfence.sel $0x180000  }
0x11f: {  	[bflag:$0x0] =	sbarrier.arrive $0xFFFF  }
0x120: {  	_ =	strace $0x90000047  }
0x121: {  	s0 =	stileid.u32;
	[bflag:$0x2] =	sbarrier.arrive $0xFFFF  }
0x122: {  	p0 =	sne.s32 s0, $0x0;
	s0 =	rddreg [dreg:$0x2]  }
0x123: {  	s0 =	sadd.s32 @!p0 $0x100000, s0  }
0x124: {  	[sflag:s0] =	ssyncadd.tile.s32 @!p0 $0x1;
	_ =	shalt  }
.Lfunc_end2:
_tile_overlayer_lowered:
.L_overlay_start_2:
0x125: {  	(tag) =	ssettag $0x2  }
0x126: {  	s0 =	rddreg [dreg:$0x0];
	s2 =	stileid.u32  }
0x127: {  	s1 =	rddreg [dreg:$0x1];
	p0 =	sne.s32 s2, $0x0  }
0x128: {  	s3 =	rddreg [dreg:$0x2];
	[bflag:$0x3] =	sbarrier.arrive $0xFFFF;
	s2 =	simm.s32 @!p0 $0x1C01  }
0x129: {  	[timem:s3], [sflag:s2] =	dma.local @!p0 [hbm:s0], s1  }
0x12a: {  	s0 =	simm.s32 @!p0 $0x1  }
0x12b: {  	_ =	swait.ge @!p0 [sflag:s0], s1  }
0x12c: {  	s1 =	ssub.s32 @!p0 $0x0, s1;
	[sflag:s0] =	ssyncset.done @!p0 $0x0  }
0x12d: {  	[sflag:s0] =	ssyncadd.s32 @!p0 s1  }
0x12e: {  	[bflag:$0x3] =	sbarrier.arrive $0xFFFF  }
0x12f: {  	_ =	shalt  }

</sc_bundles>
